<compile_context>
chip_gen: v7x
topology: tpu7x:2x2x1
jax: 0.10.2.dev20260603
libtpu: 0.0.44.dev20260713+nightly
codegen_flags: <defaults>
</compile_context>

<pallas_src>
import functools

import jax
import jax.numpy as jnp
from jax import lax
from jax.experimental import pallas as pl
from jax.experimental.pallas import tpu as pltpu
from jax.experimental.pallas import tpu_sc as plsc

_NUM_CORES = 2
_NUM_SUBCORES = 16
_NW = _NUM_CORES * _NUM_SUBCORES
_LANES = 16


def _table_body(tok_ref, pos_ref, seg_ref, gamma_ref, beta_ref, out_ref):
    V, D = tok_ref.shape
    M = pos_ref.shape[0]
    G = seg_ref.shape[0]
    e = (tok_ref[:][:, None, None, :]
         + pos_ref[:][None, :, None, :]
         + seg_ref[:][None, None, :, :])
    e = e.reshape(V * M * G, D)
    mean = jnp.mean(e, axis=-1, keepdims=True)
    c = e - mean
    var = jnp.mean(c * c, axis=-1, keepdims=True)
    out_ref[:] = c * lax.rsqrt(var + 1e-5) * gamma_ref[:] + beta_ref[:]


def _build_table(tok_embed, pos_embed, seg_embed, gamma, beta):
    V, D = tok_embed.shape
    M = pos_embed.shape[0]
    G = seg_embed.shape[0]
    return pl.pallas_call(
        _table_body,
        out_shape=jax.ShapeDtypeStruct((V * M * G, D), jnp.float32),
    )(tok_embed, pos_embed, seg_embed, gamma.reshape(1, D), beta.reshape(1, D))


def _make_sc_gather(B, D, M, G, n_chunk):
    b_per_w = B // _NW
    n_iters = b_per_w // n_chunk
    n_pairs = n_iters // 2
    mesh = plsc.VectorSubcoreMesh(core_axis_name="c", subcore_axis_name="s")

    @functools.partial(
        pl.kernel,
        mesh=mesh,
        out_type=jax.ShapeDtypeStruct((B, D), jnp.float32),
        scratch_types=[
            pltpu.VMEM((b_per_w,), jnp.int32),
            pltpu.VMEM((b_per_w,), jnp.int32),
            pltpu.VMEM((b_per_w,), jnp.int32),
            pltpu.VMEM((n_chunk, D), jnp.float32),
            pltpu.VMEM((n_chunk, D), jnp.float32),
            pltpu.VMEM((n_chunk, D), jnp.float32),
            pltpu.VMEM((n_chunk, D), jnp.float32),
            pltpu.SemaphoreType.DMA,
            pltpu.SemaphoreType.DMA,
            pltpu.SemaphoreType.DMA,
            pltpu.SemaphoreType.DMA,
            pltpu.SemaphoreType.DMA,
            pltpu.SemaphoreType.DMA,
            pltpu.SemaphoreType.DMA,
            pltpu.SemaphoreType.DMA,
        ],
    )
    def sc_gather(x_hbm, seg_hbm, table_hbm, out_hbm, x_v, seg_v, idx_v,
                  rows0_v, rows1_v, rows2_v, rows3_v,
                  g0, g1, g2, g3, s0, s1, s2, s3):
        wid = lax.axis_index("s") * _NUM_CORES + lax.axis_index("c")
        base = wid * b_per_w
        pltpu.sync_copy(x_hbm.at[pl.ds(base, b_per_w)], x_v)
        pltpu.sync_copy(seg_hbm.at[pl.ds(base, b_per_w)], seg_v)

        def idx_body(i, _):
            lane = lax.broadcasted_iota(jnp.int32, (_LANES,), 0)
            j = base + i * _LANES + lane
            p = lax.rem(j, M)
            xx = x_v[pl.ds(i * _LANES, _LANES)]
            ss = seg_v[pl.ds(i * _LANES, _LANES)]
            idx_v[pl.ds(i * _LANES, _LANES)] = xx * (M * G) + p * G + ss
            return 0

        lax.fori_loop(0, b_per_w // _LANES, idx_body, 0)

        def g_start(k, rbuf, sem):
            pltpu.async_copy(table_hbm.at[idx_v.at[pl.ds(k * n_chunk, n_chunk)]],
                             rbuf, sem)

        def g_wait(rbuf, sem):
            pltpu.make_async_copy(
                table_hbm.at[idx_v.at[pl.ds(0, n_chunk)]], rbuf, sem).wait()

        def s_start(k, rbuf, sem):
            pltpu.async_copy(rbuf, out_hbm.at[pl.ds(base + k * n_chunk, n_chunk)],
                             sem)

        def s_wait(rbuf, sem):
            pltpu.make_async_copy(
                rbuf, out_hbm.at[pl.ds(base, n_chunk)], sem).wait()

        bufs = (rows0_v, rows1_v, rows2_v, rows3_v)
        gsems = (g0, g1, g2, g3)
        ssems = (s0, s1, s2, s3)
        nb = 4
        n_quads = n_iters // nb

        for b in range(nb):
            g_start(b, bufs[b], gsems[b])

        def quad_body(i, _):
            a = nb * i
            for b in range(nb):
                g_wait(bufs[b], gsems[b])
                s_start(a + b, bufs[b], ssems[b])

            @pl.when(i < n_quads - 1)
            def _():
                for b in range(nb):
                    s_wait(bufs[b], ssems[b])
                    g_start(a + nb + b, bufs[b], gsems[b])

            return 0

        lax.fori_loop(0, n_quads, quad_body, 0)
        for b in range(nb):
            s_wait(bufs[b], ssems[b])

    return sc_gather


def kernel(x, seg, tok_embed, pos_embed, seg_embed, gamma, beta):
    Bt, S = x.shape
    V, D = tok_embed.shape
    M = pos_embed.shape[0]
    G = seg_embed.shape[0]
    B = Bt * S

    table = _build_table(tok_embed, pos_embed, seg_embed, gamma, beta)
    x_flat = x.reshape(B).astype(jnp.int32)
    seg_flat = seg.reshape(B).astype(jnp.int32)
    out_flat = _make_sc_gather(B, D, M, G, n_chunk=32)(x_flat, seg_flat, table)
    return out_flat.reshape(Bt, S, D)

# --- scband reference (transcript-rebuilt; emitter-appended) ---
"""Pipeline reference for scband-embedding-670014898655 (READ-ONLY COPY).

The authoritative reference and input builder live on the scoring server;
editing this copy changes nothing except your own understanding.
"""

import jax, jax.numpy as jnp
import numpy as np

D_MODEL = 768
MAXLEN = 30
N_SEGMENTS = 2
VOCAB_SIZE = 4
BATCH = 4096
SEQ_LEN = 30


def setup_inputs(seed: int = 0) -> dict:
    key = jax.random.key(seed)
    k1, k2, k3, k4, k5 = jax.random.split(key, 5)
    x = jax.random.randint(k1, (BATCH, SEQ_LEN), 0, VOCAB_SIZE, dtype=jnp.int64) if jax.config.jax_enable_x64 else jax.random.randint(k1, (BATCH, SEQ_LEN), 0, VOCAB_SIZE, dtype=jnp.int32)
    seg = jax.random.randint(k2, (BATCH, SEQ_LEN), 0, N_SEGMENTS, dtype=jnp.int32)
    tok_embed = jax.random.normal(k3, (VOCAB_SIZE, D_MODEL), dtype=jnp.float32)
    pos_embed = jax.random.normal(k4, (MAXLEN, D_MODEL), dtype=jnp.float32)
    seg_embed = jax.random.normal(k5, (N_SEGMENTS, D_MODEL), dtype=jnp.float32)
    gamma = jnp.ones((D_MODEL,), dtype=jnp.float32)
    beta = jnp.zeros((D_MODEL,), dtype=jnp.float32)
    return {"x": x, "seg": seg, "tok_embed": tok_embed, "pos_embed": pos_embed, "seg_embed": seg_embed, "gamma": gamma, "beta": beta}


def reference(x, seg, tok_embed, pos_embed, seg_embed, gamma, beta):
    seq_len = x.shape[1]
    pos = jnp.arange(seq_len, dtype=jnp.int32)[None, :]  # [1, S], broadcasts like expand_as
    pos = jnp.broadcast_to(pos, x.shape)
    embedding = jnp.take(tok_embed, x, axis=0) + jnp.take(pos_embed, pos, axis=0) + jnp.take(seg_embed, seg, axis=0)
    mean = jnp.mean(embedding, axis=-1, keepdims=True)
    var = jnp.var(embedding, axis=-1, keepdims=True)
    normed = (embedding - mean) / jnp.sqrt(var + 1e-5)
    return normed * gamma + beta

if __name__ == "__main__":
    import jax
    _d = setup_inputs()
    print(jax.jit(kernel)(*tuple(_d.values())))

</pallas_src>

<mosaic_0001>
#map = affine_map<(d0, d1) -> (0)>
#map1 = affine_map<(d0, d1) -> (0, 0)>
module attributes {stable_mosaic.version = 14 : i64} {
  func.func @sc_gather(%arg0: i32, %arg1: i32, %arg2: memref<122880xi32, #tpu.memory_space<hbm>>, %arg3: memref<122880xi32, #tpu.memory_space<hbm>>, %arg4: memref<240x768xf32, #tpu.memory_space<hbm>>, %arg5: memref<122880x768xf32, #tpu.memory_space<hbm>>, %arg6: memref<3840xi32, #tpu.memory_space<vmem>>, %arg7: memref<3840xi32, #tpu.memory_space<vmem>>, %arg8: memref<3840xi32, #tpu.memory_space<vmem>>, %arg9: memref<32x768xf32, #tpu.memory_space<vmem>>, %arg10: memref<32x768xf32, #tpu.memory_space<vmem>>, %arg11: memref<32x768xf32, #tpu.memory_space<vmem>>, %arg12: memref<32x768xf32, #tpu.memory_space<vmem>>, %arg13: memref<!tpu.dma_semaphore, #tpu.memory_space<semaphore_mem>>, %arg14: memref<!tpu.dma_semaphore, #tpu.memory_space<semaphore_mem>>, %arg15: memref<!tpu.dma_semaphore, #tpu.memory_space<semaphore_mem>>, %arg16: memref<!tpu.dma_semaphore, #tpu.memory_space<semaphore_mem>>, %arg17: memref<!tpu.dma_semaphore, #tpu.memory_space<semaphore_mem>>, %arg18: memref<!tpu.dma_semaphore, #tpu.memory_space<semaphore_mem>>, %arg19: memref<!tpu.dma_semaphore, #tpu.memory_space<semaphore_mem>>, %arg20: memref<!tpu.dma_semaphore, #tpu.memory_space<semaphore_mem>>) attributes {dimension_semantics = [#tpu.dimension_semantics<core_parallel>, #tpu.dimension_semantics<subcore_parallel>], iteration_bounds = array<i64: 2, 16>, scalar_prefetch = 0 : i64, scratch_operands = 15 : i64, tpu.core_type = #tpu.core_type<sc_vector_subcore>, window_params = [{transform_indices = #map}, {transform_indices = #map}, {transform_indices = #map1}, {transform_indices = #map1}]} {
    %mul3A = arith.constant 2 : i32
    %mul3A_0 = arith.muli %arg1, %mul3A : i32
    %add3A = arith.addi %mul3A_0, %arg0 : i32
    %mul3A_1 = arith.constant 3840 : i32
    %mul3A_2 = arith.muli %add3A, %mul3A_1 : i32
    "tpu.region"() ({
      %run_scoped3A = tpu.sem_alloc : memref<!tpu.dma_semaphore, #tpu.memory_space<semaphore_mem>>
      %dma_start3A_50 = tpu.memref_slice %arg2[%mul3A_2] : memref<122880xi32, #tpu.memory_space<hbm>> -> memref<3840xi32, #tpu.memory_space<hbm>>
      %dma_start3A_51 = tpu.memref_slice %arg2[%mul3A_2] : memref<122880xi32, #tpu.memory_space<hbm>> -> memref<3840xi32, #tpu.memory_space<hbm>>
      tpu.enqueue_dma source(%dma_start3A_51 : memref<3840xi32, #tpu.memory_space<hbm>>) target(%arg6 : memref<3840xi32, #tpu.memory_space<vmem>>) target_semaphore(%run_scoped3A : memref<!tpu.dma_semaphore, #tpu.memory_space<semaphore_mem>>)
      %dma_wait3A_52 = tpu.memref_slice %arg2[%mul3A_2] : memref<122880xi32, #tpu.memory_space<hbm>> -> memref<3840xi32, #tpu.memory_space<hbm>>
      %dma_wait3A_53 = tpu.memref_slice %arg2[%mul3A_2] : memref<122880xi32, #tpu.memory_space<hbm>> -> memref<3840xi32, #tpu.memory_space<hbm>>
      tpu.wait_dma2 semaphore(%run_scoped3A : memref<!tpu.dma_semaphore, #tpu.memory_space<semaphore_mem>>) src(%dma_wait3A_53 : memref<3840xi32, #tpu.memory_space<hbm>>) dst(%arg6 : memref<3840xi32, #tpu.memory_space<vmem>>)
      tpu.yield
    }) : () -> ()
    "tpu.region"() ({
      %run_scoped3A = tpu.sem_alloc : memref<!tpu.dma_semaphore, #tpu.memory_space<semaphore_mem>>
      %dma_start3A_50 = tpu.memref_slice %arg3[%mul3A_2] : memref<122880xi32, #tpu.memory_space<hbm>> -> memref<3840xi32, #tpu.memory_space<hbm>>
      %dma_start3A_51 = tpu.memref_slice %arg3[%mul3A_2] : memref<122880xi32, #tpu.memory_space<hbm>> -> memref<3840xi32, #tpu.memory_space<hbm>>
      tpu.enqueue_dma source(%dma_start3A_51 : memref<3840xi32, #tpu.memory_space<hbm>>) target(%arg7 : memref<3840xi32, #tpu.memory_space<vmem>>) target_semaphore(%run_scoped3A : memref<!tpu.dma_semaphore, #tpu.memory_space<semaphore_mem>>)
      %dma_wait3A_52 = tpu.memref_slice %arg3[%mul3A_2] : memref<122880xi32, #tpu.memory_space<hbm>> -> memref<3840xi32, #tpu.memory_space<hbm>>
      %dma_wait3A_53 = tpu.memref_slice %arg3[%mul3A_2] : memref<122880xi32, #tpu.memory_space<hbm>> -> memref<3840xi32, #tpu.memory_space<hbm>>
      tpu.wait_dma2 semaphore(%run_scoped3A : memref<!tpu.dma_semaphore, #tpu.memory_space<semaphore_mem>>) src(%dma_wait3A_53 : memref<3840xi32, #tpu.memory_space<hbm>>) dst(%arg7 : memref<3840xi32, #tpu.memory_space<vmem>>)
      tpu.yield
    }) : () -> ()
    %scan3A = arith.constant 0 : i32
    %scan3A_3 = arith.constant 0 : i32
    %scan3A_4 = arith.constant 240 : i32
    %scan3A_5 = arith.addi %scan3A_3, %scan3A_4 : i32
    %scan3A_6 = arith.constant 1 : i32
    %scan3A_7 = scf.for %scan3A_50 = %scan3A_3 to %scan3A_5 step %scan3A_6 iter_args(%scan3A_51 = %scan3A) -> (i32)  : i32 {
      %iota3A = tpu.iota {dimensions = array<i32: 0>} : vector<16xi32>
      %mul3A_52 = arith.constant 16 : i32
      %mul3A_53 = arith.muli %scan3A_50, %mul3A_52 : i32
      %add3A_54 = arith.addi %mul3A_2, %mul3A_53 : i32
      %add3A_55 = vector.broadcast %add3A_54 : i32 to vector<16xi32>
      %add3A_56 = arith.addi %add3A_55, %iota3A : vector<16xi32>
      %rem3A = arith.constant 30 : i32
      %rem3A_57 = vector.broadcast %rem3A : i32 to vector<16xi32>
      %rem3A_58 = arith.remsi %add3A_56, %rem3A_57 : vector<16xi32>
      %mul3A_59 = arith.constant 16 : i32
      %mul3A_60 = arith.muli %scan3A_50, %mul3A_59 : i32
      %get3A = arith.index_cast %mul3A_60 : i32 to index
      %get3A_61 = tpu.vector_load %arg6[%get3A] {strides = array<i32>} : memref<3840xi32, #tpu.memory_space<vmem>>, vector<16xi32>,
      %get3A_62 = vector.shape_cast %get3A_61 : vector<16xi32> to vector<16xi32>
      %mul3A_63 = arith.constant 16 : i32
      %mul3A_64 = arith.muli %scan3A_50, %mul3A_63 : i32
      %get3A_65 = arith.index_cast %mul3A_64 : i32 to index
      %get3A_66 = tpu.vector_load %arg7[%get3A_65] {strides = array<i32>} : memref<3840xi32, #tpu.memory_space<vmem>>, vector<16xi32>,
      %get3A_67 = vector.shape_cast %get3A_66 : vector<16xi32> to vector<16xi32>
      %mul3A_68 = arith.constant 60 : i32
      %mul3A_69 = vector.broadcast %mul3A_68 : i32 to vector<16xi32>
      %mul3A_70 = arith.muli %get3A_62, %mul3A_69 : vector<16xi32>
      %mul3A_71 = arith.constant 2 : i32
      %mul3A_72 = vector.broadcast %mul3A_71 : i32 to vector<16xi32>
      %mul3A_73 = arith.muli %rem3A_58, %mul3A_72 : vector<16xi32>
      %add3A_74 = arith.addi %mul3A_70, %mul3A_73 : vector<16xi32>
      %add3A_75 = arith.addi %add3A_74, %get3A_67 : vector<16xi32>
      %mul3A_76 = arith.constant 16 : i32
      %mul3A_77 = arith.muli %scan3A_50, %mul3A_76 : i32
      %swap3A = arith.index_cast %mul3A_77 : i32 to index
      %swap3A_78 = tpu.vector_load %arg8[%swap3A] {strides = array<i32>} : memref<3840xi32, #tpu.memory_space<vmem>>, vector<16xi32>,
      %swap3A_79 = vector.shape_cast %swap3A_78 : vector<16xi32> to vector<16xi32>
      %swap3A_80 = vector.shape_cast %add3A_75 : vector<16xi32> to vector<16xi32>
      tpu.vector_store %arg8[%swap3A], %swap3A_80 {strides = array<i32>} : memref<3840xi32, #tpu.memory_space<vmem>>, vector<16xi32>,
      %scan3A_81 = arith.constant 0 : i32
      scf.yield %scan3A_81 : i32
    }
    %scan3A_8 = arith.constant 240 : i32
    %dma_start3A = arith.constant 0 : i32
    %dma_start3A_9 = tpu.memref_slice %arg8[%dma_start3A] : memref<3840xi32, #tpu.memory_space<vmem>> -> memref<32xi32, #tpu.memory_space<vmem>>
    %dma_start3A_10 = arith.constant 0 : i32
    %dma_start3A_11 = arith.constant 0 : i32
    %dma_start3A_12 = tpu.memref_slice %arg4[%dma_start3A_10, %dma_start3A_11] : memref<240x768xf32, #tpu.memory_space<hbm>> -> memref<240x768xf32, #tpu.memory_space<hbm>>
    tpu.enqueue_indirect_dma source(%dma_start3A_12 : memref<240x768xf32, #tpu.memory_space<hbm>>) target(%arg9 : memref<32x768xf32, #tpu.memory_space<vmem>>) offsets(%dma_start3A_9 : memref<32xi32, #tpu.memory_space<vmem>>) semaphore(%arg13 : memref<!tpu.dma_semaphore, #tpu.memory_space<semaphore_mem>>)
    %dma_start3A_13 = arith.constant 32 : i32
    %dma_start3A_14 = tpu.memref_slice %arg8[%dma_start3A_13] : memref<3840xi32, #tpu.memory_space<vmem>> -> memref<32xi32, #tpu.memory_space<vmem>>
    %dma_start3A_15 = arith.constant 0 : i32
    %dma_start3A_16 = arith.constant 0 : i32
    %dma_start3A_17 = tpu.memref_slice %arg4[%dma_start3A_15, %dma_start3A_16] : memref<240x768xf32, #tpu.memory_space<hbm>> -> memref<240x768xf32, #tpu.memory_space<hbm>>
    tpu.enqueue_indirect_dma source(%dma_start3A_17 : memref<240x768xf32, #tpu.memory_space<hbm>>) target(%arg10 : memref<32x768xf32, #tpu.memory_space<vmem>>) offsets(%dma_start3A_14 : memref<32xi32, #tpu.memory_space<vmem>>) semaphore(%arg14 : memref<!tpu.dma_semaphore, #tpu.memory_space<semaphore_mem>>)
    %dma_start3A_18 = arith.constant 64 : i32
    %dma_start3A_19 = tpu.memref_slice %arg8[%dma_start3A_18] : memref<3840xi32, #tpu.memory_space<vmem>> -> memref<32xi32, #tpu.memory_space<vmem>>
    %dma_start3A_20 = arith.constant 0 : i32
    %dma_start3A_21 = arith.constant 0 : i32
    %dma_start3A_22 = tpu.memref_slice %arg4[%dma_start3A_20, %dma_start3A_21] : memref<240x768xf32, #tpu.memory_space<hbm>> -> memref<240x768xf32, #tpu.memory_space<hbm>>
    tpu.enqueue_indirect_dma source(%dma_start3A_22 : memref<240x768xf32, #tpu.memory_space<hbm>>) target(%arg11 : memref<32x768xf32, #tpu.memory_space<vmem>>) offsets(%dma_start3A_19 : memref<32xi32, #tpu.memory_space<vmem>>) semaphore(%arg15 : memref<!tpu.dma_semaphore, #tpu.memory_space<semaphore_mem>>)
    %dma_start3A_23 = arith.constant 96 : i32
    %dma_start3A_24 = tpu.memref_slice %arg8[%dma_start3A_23] : memref<3840xi32, #tpu.memory_space<vmem>> -> memref<32xi32, #tpu.memory_space<vmem>>
    %dma_start3A_25 = arith.constant 0 : i32
    %dma_start3A_26 = arith.constant 0 : i32
    %dma_start3A_27 = tpu.memref_slice %arg4[%dma_start3A_25, %dma_start3A_26] : memref<240x768xf32, #tpu.memory_space<hbm>> -> memref<240x768xf32, #tpu.memory_space<hbm>>
    tpu.enqueue_indirect_dma source(%dma_start3A_27 : memref<240x768xf32, #tpu.memory_space<hbm>>) target(%arg12 : memref<32x768xf32, #tpu.memory_space<vmem>>) offsets(%dma_start3A_24 : memref<32xi32, #tpu.memory_space<vmem>>) semaphore(%arg16 : memref<!tpu.dma_semaphore, #tpu.memory_space<semaphore_mem>>)
    %scan3A_28 = arith.constant 0 : i32
    %scan3A_29 = arith.constant 0 : i32
    %scan3A_30 = arith.constant 30 : i32
    %scan3A_31 = arith.addi %scan3A_29, %scan3A_30 : i32
    %scan3A_32 = arith.constant 1 : i32
    %scan3A_33 = scf.for %scan3A_50 = %scan3A_29 to %scan3A_31 step %scan3A_32 iter_args(%scan3A_51 = %scan3A_28) -> (i32)  : i32 {
      %mul3A_52 = arith.constant 4 : i32
      %mul3A_53 = arith.muli %mul3A_52, %scan3A_50 : i32
      %dma_wait3A_54 = arith.constant 0 : i32
      %dma_wait3A_55 = tpu.memref_slice %arg8[%dma_wait3A_54] : memref<3840xi32, #tpu.memory_space<vmem>> -> memref<32xi32, #tpu.memory_space<vmem>>
      %dma_wait3A_56 = arith.constant 0 : i32
      %dma_wait3A_57 = arith.constant 0 : i32
      %dma_wait3A_58 = tpu.memref_slice %arg4[%dma_wait3A_56, %dma_wait3A_57] : memref<240x768xf32, #tpu.memory_space<hbm>> -> memref<240x768xf32, #tpu.memory_space<hbm>>
      tpu.wait_indirect_dma semaphore(%arg13 : memref<!tpu.dma_semaphore, #tpu.memory_space<semaphore_mem>>) src(%dma_wait3A_58 : memref<240x768xf32, #tpu.memory_space<hbm>>) dst(%arg9 : memref<32x768xf32, #tpu.memory_space<vmem>>)
      %add3A_59 = arith.constant 0 : i32
      %add3A_60 = arith.addi %mul3A_53, %add3A_59 : i32
      %mul3A_61 = arith.constant 32 : i32
      %mul3A_62 = arith.muli %add3A_60, %mul3A_61 : i32
      %add3A_63 = arith.addi %mul3A_2, %mul3A_62 : i32
      %dma_start3A_64 = arith.constant 0 : i32
      %dma_start3A_65 = tpu.memref_slice %arg5[%add3A_63, %dma_start3A_64] : memref<122880x768xf32, #tpu.memory_space<hbm>> -> memref<32x768xf32, #tpu.memory_space<hbm>>
      %dma_start3A_66 = arith.constant 0 : i32
      %dma_start3A_67 = tpu.memref_slice %arg5[%add3A_63, %dma_start3A_66] : memref<122880x768xf32, #tpu.memory_space<hbm>> -> memref<32x768xf32, #tpu.memory_space<hbm>>
      tpu.enqueue_dma source(%arg9 : memref<32x768xf32, #tpu.memory_space<vmem>>) target(%dma_start3A_67 : memref<32x768xf32, #tpu.memory_space<hbm>>) target_semaphore(%arg17 : memref<!tpu.dma_semaphore, #tpu.memory_space<semaphore_mem>>)
      %dma_wait3A_68 = arith.constant 0 : i32
      %dma_wait3A_69 = tpu.memref_slice %arg8[%dma_wait3A_68] : memref<3840xi32, #tpu.memory_space<vmem>> -> memref<32xi32, #tpu.memory_space<vmem>>
      %dma_wait3A_70 = arith.constant 0 : i32
      %dma_wait3A_71 = arith.constant 0 : i32
      %dma_wait3A_72 = tpu.memref_slice %arg4[%dma_wait3A_70, %dma_wait3A_71] : memref<240x768xf32, #tpu.memory_space<hbm>> -> memref<240x768xf32, #tpu.memory_space<hbm>>
      tpu.wait_indirect_dma semaphore(%arg14 : memref<!tpu.dma_semaphore, #tpu.memory_space<semaphore_mem>>) src(%dma_wait3A_72 : memref<240x768xf32, #tpu.memory_space<hbm>>) dst(%arg10 : memref<32x768xf32, #tpu.memory_space<vmem>>)
      %add3A_73 = arith.constant 1 : i32
      %add3A_74 = arith.addi %mul3A_53, %add3A_73 : i32
      %mul3A_75 = arith.constant 32 : i32
      %mul3A_76 = arith.muli %add3A_74, %mul3A_75 : i32
      %add3A_77 = arith.addi %mul3A_2, %mul3A_76 : i32
      %dma_start3A_78 = arith.constant 0 : i32
      %dma_start3A_79 = tpu.memref_slice %arg5[%add3A_77, %dma_start3A_78] : memref<122880x768xf32, #tpu.memory_space<hbm>> -> memref<32x768xf32, #tpu.memory_space<hbm>>
      %dma_start3A_80 = arith.constant 0 : i32
      %dma_start3A_81 = tpu.memref_slice %arg5[%add3A_77, %dma_start3A_80] : memref<122880x768xf32, #tpu.memory_space<hbm>> -> memref<32x768xf32, #tpu.memory_space<hbm>>
      tpu.enqueue_dma source(%arg10 : memref<32x768xf32, #tpu.memory_space<vmem>>) target(%dma_start3A_81 : memref<32x768xf32, #tpu.memory_space<hbm>>) target_semaphore(%arg18 : memref<!tpu.dma_semaphore, #tpu.memory_space<semaphore_mem>>)
      %dma_wait3A_82 = arith.constant 0 : i32
      %dma_wait3A_83 = tpu.memref_slice %arg8[%dma_wait3A_82] : memref<3840xi32, #tpu.memory_space<vmem>> -> memref<32xi32, #tpu.memory_space<vmem>>
      %dma_wait3A_84 = arith.constant 0 : i32
      %dma_wait3A_85 = arith.constant 0 : i32
      %dma_wait3A_86 = tpu.memref_slice %arg4[%dma_wait3A_84, %dma_wait3A_85] : memref<240x768xf32, #tpu.memory_space<hbm>> -> memref<240x768xf32, #tpu.memory_space<hbm>>
      tpu.wait_indirect_dma semaphore(%arg15 : memref<!tpu.dma_semaphore, #tpu.memory_space<semaphore_mem>>) src(%dma_wait3A_86 : memref<240x768xf32, #tpu.memory_space<hbm>>) dst(%arg11 : memref<32x768xf32, #tpu.memory_space<vmem>>)
      %add3A_87 = arith.constant 2 : i32
      %add3A_88 = arith.addi %mul3A_53, %add3A_87 : i32
      %mul3A_89 = arith.constant 32 : i32
      %mul3A_90 = arith.muli %add3A_88, %mul3A_89 : i32
      %add3A_91 = arith.addi %mul3A_2, %mul3A_90 : i32
      %dma_start3A_92 = arith.constant 0 : i32
      %dma_start3A_93 = tpu.memref_slice %arg5[%add3A_91, %dma_start3A_92] : memref<122880x768xf32, #tpu.memory_space<hbm>> -> memref<32x768xf32, #tpu.memory_space<hbm>>
      %dma_start3A_94 = arith.constant 0 : i32
      %dma_start3A_95 = tpu.memref_slice %arg5[%add3A_91, %dma_start3A_94] : memref<122880x768xf32, #tpu.memory_space<hbm>> -> memref<32x768xf32, #tpu.memory_space<hbm>>
      tpu.enqueue_dma source(%arg11 : memref<32x768xf32, #tpu.memory_space<vmem>>) target(%dma_start3A_95 : memref<32x768xf32, #tpu.memory_space<hbm>>) target_semaphore(%arg19 : memref<!tpu.dma_semaphore, #tpu.memory_space<semaphore_mem>>)
      %dma_wait3A_96 = arith.constant 0 : i32
      %dma_wait3A_97 = tpu.memref_slice %arg8[%dma_wait3A_96] : memref<3840xi32, #tpu.memory_space<vmem>> -> memref<32xi32, #tpu.memory_space<vmem>>
      %dma_wait3A_98 = arith.constant 0 : i32
      %dma_wait3A_99 = arith.constant 0 : i32
      %dma_wait3A_100 = tpu.memref_slice %arg4[%dma_wait3A_98, %dma_wait3A_99] : memref<240x768xf32, #tpu.memory_space<hbm>> -> memref<240x768xf32, #tpu.memory_space<hbm>>
      tpu.wait_indirect_dma semaphore(%arg16 : memref<!tpu.dma_semaphore, #tpu.memory_space<semaphore_mem>>) src(%dma_wait3A_100 : memref<240x768xf32, #tpu.memory_space<hbm>>) dst(%arg12 : memref<32x768xf32, #tpu.memory_space<vmem>>)
      %add3A_101 = arith.constant 3 : i32
      %add3A_102 = arith.addi %mul3A_53, %add3A_101 : i32
      %mul3A_103 = arith.constant 32 : i32
      %mul3A_104 = arith.muli %add3A_102, %mul3A_103 : i32
      %add3A_105 = arith.addi %mul3A_2, %mul3A_104 : i32
      %dma_start3A_106 = arith.constant 0 : i32
      %dma_start3A_107 = tpu.memref_slice %arg5[%add3A_105, %dma_start3A_106] : memref<122880x768xf32, #tpu.memory_space<hbm>> -> memref<32x768xf32, #tpu.memory_space<hbm>>
      %dma_start3A_108 = arith.constant 0 : i32
      %dma_start3A_109 = tpu.memref_slice %arg5[%add3A_105, %dma_start3A_108] : memref<122880x768xf32, #tpu.memory_space<hbm>> -> memref<32x768xf32, #tpu.memory_space<hbm>>
      tpu.enqueue_dma source(%arg12 : memref<32x768xf32, #tpu.memory_space<vmem>>) target(%dma_start3A_109 : memref<32x768xf32, #tpu.memory_space<hbm>>) target_semaphore(%arg20 : memref<!tpu.dma_semaphore, #tpu.memory_space<semaphore_mem>>)
      %lt3A = arith.constant 29 : i32
      %lt3A_110 = arith.cmpi slt, %scan3A_50, %lt3A : i32
      %convert_element_type3A = arith.extui %lt3A_110 : i1 to i32
      %cond3A = arith.constant 0 : i32
      %cond3A_111 = arith.cmpi ne, %convert_element_type3A, %cond3A : i32
      scf.if %cond3A_111 {
        %dma_wait3A_113 = arith.constant 0 : i32
        %dma_wait3A_114 = tpu.memref_slice %arg5[%mul3A_2, %dma_wait3A_113] : memref<122880x768xf32, #tpu.memory_space<hbm>> -> memref<32x768xf32, #tpu.memory_space<hbm>>
        %dma_wait3A_115 = arith.constant 0 : i32
        %dma_wait3A_116 = tpu.memref_slice %arg5[%mul3A_2, %dma_wait3A_115] : memref<122880x768xf32, #tpu.memory_space<hbm>> -> memref<32x768xf32, #tpu.memory_space<hbm>>
        tpu.wait_dma2 semaphore(%arg17 : memref<!tpu.dma_semaphore, #tpu.memory_space<semaphore_mem>>) src(%arg9 : memref<32x768xf32, #tpu.memory_space<vmem>>) dst(%dma_wait3A_116 : memref<32x768xf32, #tpu.memory_space<hbm>>)
        %add3A_117 = arith.constant 4 : i32
        %add3A_118 = arith.addi %mul3A_53, %add3A_117 : i32
        %add3A_119 = arith.constant 0 : i32
        %add3A_120 = arith.addi %add3A_118, %add3A_119 : i32
        %mul3A_121 = arith.constant 32 : i32
        %mul3A_122 = arith.muli %add3A_120, %mul3A_121 : i32
        %dma_start3A_123 = tpu.memref_slice %arg8[%mul3A_122] : memref<3840xi32, #tpu.memory_space<vmem>> -> memref<32xi32, #tpu.memory_space<vmem>>
        %dma_start3A_124 = arith.constant 0 : i32
        %dma_start3A_125 = arith.constant 0 : i32
        %dma_start3A_126 = tpu.memref_slice %arg4[%dma_start3A_124, %dma_start3A_125] : memref<240x768xf32, #tpu.memory_space<hbm>> -> memref<240x768xf32, #tpu.memory_space<hbm>>
        tpu.enqueue_indirect_dma source(%dma_start3A_126 : memref<240x768xf32, #tpu.memory_space<hbm>>) target(%arg9 : memref<32x768xf32, #tpu.memory_space<vmem>>) offsets(%dma_start3A_123 : memref<32xi32, #tpu.memory_space<vmem>>) semaphore(%arg13 : memref<!tpu.dma_semaphore, #tpu.memory_space<semaphore_mem>>)
        %dma_wait3A_127 = arith.constant 0 : i32
        %dma_wait3A_128 = tpu.memref_slice %arg5[%mul3A_2, %dma_wait3A_127] : memref<122880x768xf32, #tpu.memory_space<hbm>> -> memref<32x768xf32, #tpu.memory_space<hbm>>
        %dma_wait3A_129 = arith.constant 0 : i32
        %dma_wait3A_130 = tpu.memref_slice %arg5[%mul3A_2, %dma_wait3A_129] : memref<122880x768xf32, #tpu.memory_space<hbm>> -> memref<32x768xf32, #tpu.memory_space<hbm>>
        tpu.wait_dma2 semaphore(%arg18 : memref<!tpu.dma_semaphore, #tpu.memory_space<semaphore_mem>>) src(%arg10 : memref<32x768xf32, #tpu.memory_space<vmem>>) dst(%dma_wait3A_130 : memref<32x768xf32, #tpu.memory_space<hbm>>)
        %add3A_131 = arith.constant 4 : i32
        %add3A_132 = arith.addi %mul3A_53, %add3A_131 : i32
        %add3A_133 = arith.constant 1 : i32
        %add3A_134 = arith.addi %add3A_132, %add3A_133 : i32
        %mul3A_135 = arith.constant 32 : i32
        %mul3A_136 = arith.muli %add3A_134, %mul3A_135 : i32
        %dma_start3A_137 = tpu.memref_slice %arg8[%mul3A_136] : memref<3840xi32, #tpu.memory_space<vmem>> -> memref<32xi32, #tpu.memory_space<vmem>>
        %dma_start3A_138 = arith.constant 0 : i32
        %dma_start3A_139 = arith.constant 0 : i32
        %dma_start3A_140 = tpu.memref_slice %arg4[%dma_start3A_138, %dma_start3A_139] : memref<240x768xf32, #tpu.memory_space<hbm>> -> memref<240x768xf32, #tpu.memory_space<hbm>>
        tpu.enqueue_indirect_dma source(%dma_start3A_140 : memref<240x768xf32, #tpu.memory_space<hbm>>) target(%arg10 : memref<32x768xf32, #tpu.memory_space<vmem>>) offsets(%dma_start3A_137 : memref<32xi32, #tpu.memory_space<vmem>>) semaphore(%arg14 : memref<!tpu.dma_semaphore, #tpu.memory_space<semaphore_mem>>)
        %dma_wait3A_141 = arith.constant 0 : i32
        %dma_wait3A_142 = tpu.memref_slice %arg5[%mul3A_2, %dma_wait3A_141] : memref<122880x768xf32, #tpu.memory_space<hbm>> -> memref<32x768xf32, #tpu.memory_space<hbm>>
        %dma_wait3A_143 = arith.constant 0 : i32
        %dma_wait3A_144 = tpu.memref_slice %arg5[%mul3A_2, %dma_wait3A_143] : memref<122880x768xf32, #tpu.memory_space<hbm>> -> memref<32x768xf32, #tpu.memory_space<hbm>>
        tpu.wait_dma2 semaphore(%arg19 : memref<!tpu.dma_semaphore, #tpu.memory_space<semaphore_mem>>) src(%arg11 : memref<32x768xf32, #tpu.memory_space<vmem>>) dst(%dma_wait3A_144 : memref<32x768xf32, #tpu.memory_space<hbm>>)
        %add3A_145 = arith.constant 4 : i32
        %add3A_146 = arith.addi %mul3A_53, %add3A_145 : i32
        %add3A_147 = arith.constant 2 : i32
        %add3A_148 = arith.addi %add3A_146, %add3A_147 : i32
        %mul3A_149 = arith.constant 32 : i32
        %mul3A_150 = arith.muli %add3A_148, %mul3A_149 : i32
        %dma_start3A_151 = tpu.memref_slice %arg8[%mul3A_150] : memref<3840xi32, #tpu.memory_space<vmem>> -> memref<32xi32, #tpu.memory_space<vmem>>
        %dma_start3A_152 = arith.constant 0 : i32
        %dma_start3A_153 = arith.constant 0 : i32
        %dma_start3A_154 = tpu.memref_slice %arg4[%dma_start3A_152, %dma_start3A_153] : memref<240x768xf32, #tpu.memory_space<hbm>> -> memref<240x768xf32, #tpu.memory_space<hbm>>
        tpu.enqueue_indirect_dma source(%dma_start3A_154 : memref<240x768xf32, #tpu.memory_space<hbm>>) target(%arg11 : memref<32x768xf32, #tpu.memory_space<vmem>>) offsets(%dma_start3A_151 : memref<32xi32, #tpu.memory_space<vmem>>) semaphore(%arg15 : memref<!tpu.dma_semaphore, #tpu.memory_space<semaphore_mem>>)
        %dma_wait3A_155 = arith.constant 0 : i32
        %dma_wait3A_156 = tpu.memref_slice %arg5[%mul3A_2, %dma_wait3A_155] : memref<122880x768xf32, #tpu.memory_space<hbm>> -> memref<32x768xf32, #tpu.memory_space<hbm>>
        %dma_wait3A_157 = arith.constant 0 : i32
        %dma_wait3A_158 = tpu.memref_slice %arg5[%mul3A_2, %dma_wait3A_157] : memref<122880x768xf32, #tpu.memory_space<hbm>> -> memref<32x768xf32, #tpu.memory_space<hbm>>
        tpu.wait_dma2 semaphore(%arg20 : memref<!tpu.dma_semaphore, #tpu.memory_space<semaphore_mem>>) src(%arg12 : memref<32x768xf32, #tpu.memory_space<vmem>>) dst(%dma_wait3A_158 : memref<32x768xf32, #tpu.memory_space<hbm>>)
        %add3A_159 = arith.constant 4 : i32
        %add3A_160 = arith.addi %mul3A_53, %add3A_159 : i32
        %add3A_161 = arith.constant 3 : i32
        %add3A_162 = arith.addi %add3A_160, %add3A_161 : i32
        %mul3A_163 = arith.constant 32 : i32
        %mul3A_164 = arith.muli %add3A_162, %mul3A_163 : i32
        %dma_start3A_165 = tpu.memref_slice %arg8[%mul3A_164] : memref<3840xi32, #tpu.memory_space<vmem>> -> memref<32xi32, #tpu.memory_space<vmem>>
        %dma_start3A_166 = arith.constant 0 : i32
        %dma_start3A_167 = arith.constant 0 : i32
        %dma_start3A_168 = tpu.memref_slice %arg4[%dma_start3A_166, %dma_start3A_167] : memref<240x768xf32, #tpu.memory_space<hbm>> -> memref<240x768xf32, #tpu.memory_space<hbm>>
        tpu.enqueue_indirect_dma source(%dma_start3A_168 : memref<240x768xf32, #tpu.memory_space<hbm>>) target(%arg12 : memref<32x768xf32, #tpu.memory_space<vmem>>) offsets(%dma_start3A_165 : memref<32xi32, #tpu.memory_space<vmem>>) semaphore(%arg16 : memref<!tpu.dma_semaphore, #tpu.memory_space<semaphore_mem>>)
      } else {
      }
      %scan3A_112 = arith.constant 0 : i32
      scf.yield %scan3A_112 : i32
    }
    %scan3A_34 = arith.constant 30 : i32
    %dma_wait3A = arith.constant 0 : i32
    %dma_wait3A_35 = tpu.memref_slice %arg5[%mul3A_2, %dma_wait3A] : memref<122880x768xf32, #tpu.memory_space<hbm>> -> memref<32x768xf32, #tpu.memory_space<hbm>>
    %dma_wait3A_36 = arith.constant 0 : i32
    %dma_wait3A_37 = tpu.memref_slice %arg5[%mul3A_2, %dma_wait3A_36] : memref<122880x768xf32, #tpu.memory_space<hbm>> -> memref<32x768xf32, #tpu.memory_space<hbm>>
    tpu.wait_dma2 semaphore(%arg17 : memref<!tpu.dma_semaphore, #tpu.memory_space<semaphore_mem>>) src(%arg9 : memref<32x768xf32, #tpu.memory_space<vmem>>) dst(%dma_wait3A_37 : memref<32x768xf32, #tpu.memory_space<hbm>>)
    %dma_wait3A_38 = arith.constant 0 : i32
    %dma_wait3A_39 = tpu.memref_slice %arg5[%mul3A_2, %dma_wait3A_38] : memref<122880x768xf32, #tpu.memory_space<hbm>> -> memref<32x768xf32, #tpu.memory_space<hbm>>
    %dma_wait3A_40 = arith.constant 0 : i32
    %dma_wait3A_41 = tpu.memref_slice %arg5[%mul3A_2, %dma_wait3A_40] : memref<122880x768xf32, #tpu.memory_space<hbm>> -> memref<32x768xf32, #tpu.memory_space<hbm>>
    tpu.wait_dma2 semaphore(%arg18 : memref<!tpu.dma_semaphore, #tpu.memory_space<semaphore_mem>>) src(%arg10 : memref<32x768xf32, #tpu.memory_space<vmem>>) dst(%dma_wait3A_41 : memref<32x768xf32, #tpu.memory_space<hbm>>)
    %dma_wait3A_42 = arith.constant 0 : i32
    %dma_wait3A_43 = tpu.memref_slice %arg5[%mul3A_2, %dma_wait3A_42] : memref<122880x768xf32, #tpu.memory_space<hbm>> -> memref<32x768xf32, #tpu.memory_space<hbm>>
    %dma_wait3A_44 = arith.constant 0 : i32
    %dma_wait3A_45 = tpu.memref_slice %arg5[%mul3A_2, %dma_wait3A_44] : memref<122880x768xf32, #tpu.memory_space<hbm>> -> memref<32x768xf32, #tpu.memory_space<hbm>>
    tpu.wait_dma2 semaphore(%arg19 : memref<!tpu.dma_semaphore, #tpu.memory_space<semaphore_mem>>) src(%arg11 : memref<32x768xf32, #tpu.memory_space<vmem>>) dst(%dma_wait3A_45 : memref<32x768xf32, #tpu.memory_space<hbm>>)
    %dma_wait3A_46 = arith.constant 0 : i32
    %dma_wait3A_47 = tpu.memref_slice %arg5[%mul3A_2, %dma_wait3A_46] : memref<122880x768xf32, #tpu.memory_space<hbm>> -> memref<32x768xf32, #tpu.memory_space<hbm>>
    %dma_wait3A_48 = arith.constant 0 : i32
    %dma_wait3A_49 = tpu.memref_slice %arg5[%mul3A_2, %dma_wait3A_48] : memref<122880x768xf32, #tpu.memory_space<hbm>> -> memref<32x768xf32, #tpu.memory_space<hbm>>
    tpu.wait_dma2 semaphore(%arg20 : memref<!tpu.dma_semaphore, #tpu.memory_space<semaphore_mem>>) src(%arg12 : memref<32x768xf32, #tpu.memory_space<vmem>>) dst(%dma_wait3A_49 : memref<32x768xf32, #tpu.memory_space<hbm>>)
    return
  }
}

module attributes {stable_mosaic.version = 14 : i64} {
  func.func @_table_body(%arg0: memref<4x768xf32, #tpu.memory_space<vmem>>, %arg1: memref<30x768xf32, #tpu.memory_space<vmem>>, %arg2: memref<2x768xf32, #tpu.memory_space<vmem>>, %arg3: memref<1x768xf32, #tpu.memory_space<vmem>>, %arg4: memref<1x768xf32, #tpu.memory_space<vmem>>, %arg5: memref<240x768xf32, #tpu.memory_space<vmem>>) attributes {dimension_semantics = [], scalar_prefetch = 0 : i64, scratch_operands = 0 : i64, tpu.core_type = #tpu.core_type<tc>} {
    %get3A = arith.constant 0 : index
    %get3A_0 = arith.constant 0 : index
    %get3A_1 = vector.load %arg0[%get3A, %get3A_0] : memref<4x768xf32, #tpu.memory_space<vmem>>, vector<4x768xf32>
    %broadcast_in_dim3A = vector.shape_cast %get3A_1 : vector<4x768xf32> to vector<4x1x1x768xf32>
    %get3A_2 = arith.constant 0 : index
    %get3A_3 = arith.constant 0 : index
    %get3A_4 = vector.load %arg1[%get3A_2, %get3A_3] : memref<30x768xf32, #tpu.memory_space<vmem>>, vector<30x768xf32>
    %broadcast_in_dim3A_5 = vector.shape_cast %get3A_4 : vector<30x768xf32> to vector<1x30x1x768xf32>
    %add3A = vector.broadcast %broadcast_in_dim3A : vector<4x1x1x768xf32> to vector<4x30x1x768xf32>
    %add3A_6 = vector.broadcast %broadcast_in_dim3A_5 : vector<1x30x1x768xf32> to vector<4x30x1x768xf32>
    %add3A_7 = arith.addf %add3A, %add3A_6 : vector<4x30x1x768xf32>
    %get3A_8 = arith.constant 0 : index
    %get3A_9 = arith.constant 0 : index
    %get3A_10 = vector.load %arg2[%get3A_8, %get3A_9] : memref<2x768xf32, #tpu.memory_space<vmem>>, vector<2x768xf32>
    %broadcast_in_dim3A_11 = vector.shape_cast %get3A_10 : vector<2x768xf32> to vector<1x1x2x768xf32>
    %add3A_12 = vector.broadcast %add3A_7 : vector<4x30x1x768xf32> to vector<4x30x2x768xf32>
    %add3A_13 = vector.broadcast %broadcast_in_dim3A_11 : vector<1x1x2x768xf32> to vector<4x30x2x768xf32>
    %add3A_14 = arith.addf %add3A_12, %add3A_13 : vector<4x30x2x768xf32>
    %reshape3A = vector.shape_cast %add3A_14 : vector<4x30x2x768xf32> to vector<240x768xf32>
    %reduce_sum3A = arith.constant dense<0.000000e+00> : vector<240xf32>
    %reduce_sum3A_15 = vector.multi_reduction <add>, %reshape3A, %reduce_sum3A [1] : vector<240x768xf32> to vector<240xf32>
    %broadcast_in_dim3A_16 = vector.shape_cast %reduce_sum3A_15 : vector<240xf32> to vector<240x1xf32>
    %div3A = arith.constant 7.680000e+02 : f32
    %div3A_17 = vector.broadcast %div3A : f32 to vector<240x1xf32>
    %div3A_18 = arith.divf %broadcast_in_dim3A_16, %div3A_17 : vector<240x1xf32>
    %sub3A = vector.broadcast %div3A_18 : vector<240x1xf32> to vector<240x768xf32>
    %sub3A_19 = arith.subf %reshape3A, %sub3A : vector<240x768xf32>
    %mul3A = arith.mulf %sub3A_19, %sub3A_19 : vector<240x768xf32>
    %reduce_sum3A_20 = arith.constant dense<0.000000e+00> : vector<240xf32>
    %reduce_sum3A_21 = vector.multi_reduction <add>, %mul3A, %reduce_sum3A_20 [1] : vector<240x768xf32> to vector<240xf32>
    %broadcast_in_dim3A_22 = vector.shape_cast %reduce_sum3A_21 : vector<240xf32> to vector<240x1xf32>
    %div3A_23 = arith.constant 7.680000e+02 : f32
    %div3A_24 = vector.broadcast %div3A_23 : f32 to vector<240x1xf32>
    %div3A_25 = arith.divf %broadcast_in_dim3A_22, %div3A_24 : vector<240x1xf32>
    %add3A_26 = arith.constant 9.99999974E-6 : f32
    %add3A_27 = vector.broadcast %add3A_26 : f32 to vector<240x1xf32>
    %add3A_28 = arith.addf %div3A_25, %add3A_27 : vector<240x1xf32>
    %rsqrt3A = math.rsqrt %add3A_28 : vector<240x1xf32>
    %mul3A_29 = vector.broadcast %rsqrt3A : vector<240x1xf32> to vector<240x768xf32>
    %mul3A_30 = arith.mulf %sub3A_19, %mul3A_29 : vector<240x768xf32>
    %get3A_31 = arith.constant 0 : index
    %get3A_32 = arith.constant 0 : index
    %get3A_33 = vector.load %arg3[%get3A_31, %get3A_32] : memref<1x768xf32, #tpu.memory_space<vmem>>, vector<1x768xf32>
    %mul3A_34 = vector.broadcast %get3A_33 : vector<1x768xf32> to vector<240x768xf32>
    %mul3A_35 = arith.mulf %mul3A_30, %mul3A_34 : vector<240x768xf32>
    %get3A_36 = arith.constant 0 : index
    %get3A_37 = arith.constant 0 : index
    %get3A_38 = vector.load %arg4[%get3A_36, %get3A_37] : memref<1x768xf32, #tpu.memory_space<vmem>>, vector<1x768xf32>
    %add3A_39 = vector.broadcast %get3A_38 : vector<1x768xf32> to vector<240x768xf32>
    %add3A_40 = arith.addf %mul3A_35, %add3A_39 : vector<240x768xf32>
    %swap3A = arith.constant 0 : index
    %swap3A_41 = arith.constant 0 : index
    %swap3A_42 = vector.load %arg5[%swap3A, %swap3A_41] : memref<240x768xf32, #tpu.memory_space<vmem>>, vector<240x768xf32>
    tpu.vector_store %arg5[%swap3A, %swap3A_41], %add3A_40 {strides = array<i32>} : memref<240x768xf32, #tpu.memory_space<vmem>>, vector<240x768xf32>,
    return
  }
}

</mosaic_0001>

<sc_bundles>
// kernel: kernel.4.cloned.1.call-start
scs
__scs_entry_jumppad:
0x0: {  	(pc) =	sbr.rel $0x88, $3  }
0x1: {  	(tag) =	ssettag $0x0;
	lr =	simm.s32 $0x1  }
0x2: {  	[smem:$0x3F9A] =	sst lr;
	_ =	strace $0xD0000000  }
0x3: {  	_ = 	snop  }
0x4: {  	_ = 	snop  }
0x5: {  	_ = 	snop  }
0x6: {  	_ = 	snop  }
0x7: {  	_ = 	snop  }
__scs_overlays_trampoline_lowered:
0x8: {  	[smem:$0x3FA9] =	sst s0  }
0x9: {  	[smem:$0x3FAA] =	sst s1  }
0xa: {  	[smem:$0x3FAB] =	sst s2  }
0xb: {  	[smem:$0x3FAC] =	sst s3  }
0xc: {  	[smem:$0x3FAD] =	sst s4  }
0xd: {  	[smem:$0x3FAE] =	sst s5  }
0xe: {  	[smem:$0x3FAF] =	sst s6  }
0xf: {  	[smem:$0x3FB0] =	sst s7  }
0x10: {  	[smem:$0x3FB1] =	sst s8  }
0x11: {  	[smem:$0x3FB2] =	sst s9;
	s0 =	simm.s32 @!p0 $0x0  }
0x12: {  	s1 =	sld [smem:$0x3F98];
	s0 =	simm.s32 @p0 $0x1  }
0x13: {  	[smem:$0x3FB3] =	sst s0;
	s0 =	simm.s32 @!p1 $0x0  }
0x14: {  	s2 =	sld [smem:$0x3F97];
	s0 =	simm.s32 @p1 $0x1  }
0x15: {  	[smem:$0x3FB4] =	sst s0;
	s0 =	simm.s32 @!p2 $0x0  }
0x16: {  	s3 =	sld [smem:$0x3FDB];
	s0 =	simm.s32 @p2 $0x1  }
0x17: {  	s4 =	simm.s32 $0x1BF5;
	[smem:$0x3FB6] =	sst s0  }
0x18: {  	s0 =	sld [smem:$0x3F99];
	_ =	swait.ge [sflag:s4], $0x0  }
0x19: {  	s7 =	sld [smem:$0x3F9A]  }
0x1a: {  	s8 =	sadd.s32 $0xFFFFE003, lr  }
0x1b: {  	s9 =	sadd.s32 $0xFFFFFEF7, lr;
	s5 =	simm.s32 $0xFFFFFFFF;
	p2 =	slt.u32 s8, $0xFFFFF086  }
0x1c: {  	p1 =	slt.u32 s9, $0xF7A;
	s5 =	simm.s32 @!p2 $0x0  }
0x1d: {  	s5 =	simm.s32 @p1 $0x1;
	p0 =	seq.s32 s7, s2  }
0x1e: {  	s7 =	smul.u32 @!p0 $0xF7A, s2;
	p2 =	seq.s32 @!p0 s5, $0x0  }
0x1f: {  	s9 =	smul.u32 $0xF7A, s1;
	s8 =	simm.s32 @!p0 $0x1BF5;
	p2 =	por !p2, p0  }
0x20: {  	[sflag:s8] =	ssyncset.s32 @!p0 $0xFFFFF086;
	s6 =	sadd.s32 @!p0 s3, s7;
	s7 =	simm.s32 @!p0 $0x108  }
0x21: {  	s3 =	sadd.s32 s3, s9;
	s6 =	sadd.s32 @!p0 $0x88, s6;
	s7 =	simm.s32 @p2 $0x1082  }
0x22: {  	[simem:s7], [sflag:s8] =	dma.local @!p0 [hbm:s6], $0xF7A  }
0x23: {  	s9 =	sor.u32 $0xD0000000, s2;
	s6 =	simm.s32 $0x108;
	_ =	swait.ge @!p0 [sflag:s8], $0x0  }
0x24: {  	s3 =	sadd.s32 $0x88, s3;
	s6 =	simm.s32 @!p1 $0x1082;
	[sflag:s4] =	ssyncset.s32 $0xFFFFF086  }
0x25: {  	[simem:s6], [sflag:s4] =	dma.local [hbm:s3], $0xF7A  }
0x26: {  	[smem:$0x3F9A] =	sst s1;
	(tag) =	ssettag s2;
	_ =	strace s9  }
0x27: {  	s1 =	sld [smem:$0x3FAA]  }
0x28: {  	s2 =	sld [smem:$0x3FAB]  }
0x29: {  	s4 =	sld [smem:$0x3FAD]  }
0x2a: {  	p0 =	seq.s32 s5, $0x0;
	s5 =	sld [smem:$0x3FAE]  }
0x2b: {  	s6 =	sld [smem:$0x3FAF]  }
0x2c: {  	s7 =	sld [smem:$0x3FB0]  }
0x2d: {  	s3 =	simm.s32 $0x108;
	s8 =	sld [smem:$0x3FB1]  }
0x2e: {  	s3 =	simm.s32 @!p0 $0x1082;
	s9 =	sld [smem:$0x3FB2]  }
0x2f: {  	lr =	sadd.s32 s0, s3;
	s0 =	sld [smem:$0x3FA9]  }
0x30: {  	s3 =	sld [smem:$0x3FAC]  }
0x31: {  	[smem:$0x3FB5] =	sst s10  }
0x32: {  	s10 =	sld [smem:$0x3FB3];
	_ =	sdelay $0x3  }
0x33: {  	p0 =	seq.s32 s10, $0x1;
	s10 =	sld [smem:$0x3FB5];
	_ =	sdelay $0x3  }
0x34: {  	[smem:$0x3FB5] =	sst s10  }
0x35: {  	s10 =	sld [smem:$0x3FB4];
	_ =	sdelay $0x3  }
0x36: {  	p1 =	seq.s32 s10, $0x1;
	s10 =	sld [smem:$0x3FB5];
	_ =	sdelay $0x3  }
0x37: {  	[smem:$0x3FB5] =	sst s10  }
0x38: {  	s10 =	sld [smem:$0x3FB6]  }
0x39: {  	_ = 	snop;
	(pc) =	sbr.ind lr, $3  }
0x3a: {  	_ = 	snop  }
0x3b: {  	_ = 	snop  }
0x3c: {  	p2 =	seq.s32 s10, $0x1;
	s10 =	sld [smem:$0x3FB5]  }
0x3d: {  	_ =	shalt  }
0x3e: {  	_ =	shalt  }
0x3f: {  	_ =	shalt  }
0x40: {  	_ =	shalt  }
0x41: {  	_ =	shalt  }
0x42: {  	_ =	shalt  }
0x43: {  	_ =	shalt  }
0x44: {  	_ =	shalt  }
0x45: {  	_ =	shalt  }
0x46: {  	_ =	shalt  }
0x47: {  	_ =	shalt  }
0x48: {  	_ =	shalt  }
0x49: {  	_ =	shalt  }
0x4a: {  	_ =	shalt  }
0x4b: {  	_ =	shalt  }
0x4c: {  	_ =	shalt  }
0x4d: {  	_ =	shalt  }
0x4e: {  	_ =	shalt  }
0x4f: {  	_ =	shalt  }
0x50: {  	_ =	shalt  }
0x51: {  	_ =	shalt  }
0x52: {  	_ =	shalt  }
0x53: {  	_ =	shalt  }
0x54: {  	_ =	shalt  }
0x55: {  	_ =	shalt  }
0x56: {  	_ =	shalt  }
0x57: {  	_ =	shalt  }
0x58: {  	_ =	shalt  }
0x59: {  	_ =	shalt  }
0x5a: {  	_ =	shalt  }
0x5b: {  	_ =	shalt  }
0x5c: {  	_ =	shalt  }
0x5d: {  	_ =	shalt  }
0x5e: {  	_ =	shalt  }
0x5f: {  	_ =	shalt  }
0x60: {  	_ =	shalt  }
0x61: {  	_ =	shalt  }
0x62: {  	_ =	shalt  }
0x63: {  	_ =	shalt  }
0x64: {  	_ =	shalt  }
0x65: {  	_ =	shalt  }
0x66: {  	_ =	shalt  }
0x67: {  	_ =	shalt  }
0x68: {  	_ =	shalt  }
0x69: {  	_ =	shalt  }
0x6a: {  	_ =	shalt  }
0x6b: {  	_ =	shalt  }
0x6c: {  	_ =	shalt  }
0x6d: {  	_ =	shalt  }
0x6e: {  	_ =	shalt  }
0x6f: {  	_ =	shalt  }
0x70: {  	_ =	shalt  }
0x71: {  	_ =	shalt  }
0x72: {  	_ =	shalt  }
0x73: {  	_ =	shalt  }
0x74: {  	_ =	shalt  }
0x75: {  	_ =	shalt  }
0x76: {  	_ =	shalt  }
0x77: {  	_ =	shalt  }
0x78: {  	_ =	shalt  }
0x79: {  	_ =	shalt  }
0x7a: {  	_ =	shalt  }
0x7b: {  	_ =	shalt  }
0x7c: {  	_ =	shalt  }
0x7d: {  	_ =	shalt  }
0x7e: {  	_ =	shalt  }
0x7f: {  	_ =	shalt  }
0x80: {  	_ =	shalt  }
0x81: {  	_ =	shalt  }
0x82: {  	_ =	shalt  }
0x83: {  	_ =	shalt  }
0x84: {  	_ =	shalt  }
0x85: {  	_ =	shalt  }
0x86: {  	_ =	shalt  }
0x87: {  	_ =	shalt  }
.Lfunc_end0:
.L_simem_size_0:
called_computation.1_lowered:
.L_overlay_start_0:
0x88: {  	s2 =	sld [smem:$0x3FD9]  }
0x89: {  	s3 =	sld [smem:$0x3FFE];
	_ =	sdelay $0x1  }
0x8a: {  	s1 =	srdreg.scid  }
0x8b: {  	s0 =	sand.u32 $0x1, s1  }
0x8c: {  	s17 =	sshll.u32 s0, $0xA;
	s2 =	sadd.s32 s3, s2  }
0x8d: {  	s2 =	sadd.s32 s2, s17  }
0x8e: {  	[smem:$0x3FC1] =	sst s2  }
0x8f: {  	_ = 	snop  }
0x90: {  	s2 =	sld [smem:$0x3FD0];
	(tm) =	ssettm $0x1  }
0x91: {  	s18 =	sld [smem:$0x3FFB];
	_ =	sdelay $0x3  }
0x92: {  	_ =	strace s18  }
0x93: {  	s3 =	sld [smem:$0x3FFC];
	_ =	sdelay $0x3  }
0x94: {  	_ =	strace s3  }
0x95: {  	s3 =	sld [smem:$0x3FFD];
	_ =	sdelay $0x3  }
0x96: {  	_ =	strace s3  }
0x97: {  	_ =	strace $0x8FFFFFFF  }
0x98: {  	s19 =	sld [smem:$0x3FDB];
	_ =	sdelay $0x1  }
0x99: {  	s4 =	simm.s32 $_scs_section_size  }
0x9a: {  	s5 =	simm.s32 $_size__tile_overlayer_lowered;
	s6 =	simm.s32 $_tile_overlayer_lowered  }
0x9b: {  	s22 =	simm.s32 $0x1BFF;
	s21 =	sshll.u32 s6, $0x1;
	s3 =	sadd.s32 s4, s19  }
0x9c: {  	s7 =	simm.s32 $0x0;
	s20 =	sshll.u32 s5, $0x1;
	s5 =	sadd.s32 s21, s3  }
0x9d: {  	[timem:s7], [sflag:s22] =	dma.local [hbm:s5], s20  }
0x9e: {  	_ =	swait.ge [sflag:s22], s20  }
0x9f: {  	s4 =	ssub.s32 $0x0, s20;
	[sflag:s22] =	ssyncset.done $0x0  }
0xa0: {  	[sflag:s22] =	ssyncadd.s32 s4;
	_ =	sdelay $0x1  }
0xa1: {  	s23 =	simm.s32 $0x1B8B  }
0xa2: {  	_ =	swait.ge [sflag:s23], $0x1  }
0xa3: {  	[sflag:s23] =	ssyncset.done $0x0  }
0xa4: {  	s25 =	simm.s32 $0x1B8E;
	s24 =	sld [smem:$0x3FFE];
	[sflag:s23] =	ssyncadd.s32 $0xFFFFFFFF  }
0xa5: {  	s26 =	simm.s32 $execute0_lowered;
	[smem:$0x3FD2] =	sst s25  }
0xa6: {  	s5 =	sshll.u32 s26, $0x1;
	_ =	strace $0x80000046;
	[dreg:$0x1] =	wrdreg $0xFFFFFFFF  }
0xa7: {  	s28 =	simm.s32 $_size_execute0_lowered;
	s3 =	sadd.s32 s3, s5;
	[dreg:$0x0] =	wrdreg $0x0  }
0xa8: {  	s5 =	sshll.u32 s28, $0x1;
	[dreg:$0x2] =	wrdreg s3  }
0xa9: {  	[dreg:$0x3] =	wrdreg s5  }
0xaa: {  	[dreg:$0x4] =	wrdreg $0xC0  }
0xab: {  	_ =	task [dreg:s7], $0x5FFFF  }
0xac: {  	[dreg:$0x1] =	wrdreg $0xFFFFFFFF  }
0xad: {  	[dreg:$0x0] =	wrdreg $0x60  }
0xae: {  	[dreg:$0x2] =	wrdreg s24  }
0xaf: {  	[dreg:$0x3] =	wrdreg s2  }
0xb0: {  	[dreg:$0x4] =	wrdreg $0x9  }
0xb1: {  	_ =	task.clear_ibuf [dreg:s7], $0x5FFFF;
	_ =	strace $0x90000046  }
0xb2: {  	s29 =	simm.s32 $0x9;
	_ =	strace $0x80000048  }
0xb3: {  	_ =	swait.ge [sflag:s29], $0x1  }
0xb4: {  	[sflag:s29] =	ssyncadd.s32 $0xFFFFFFFF  }
0xb5: {  	_ =	strace $0x90000048  }
0xb6: {  	_ =	sfence  }
0xb7: {  	s30 =	sld [smem:$0x0];
	_ =	sdelay $0x2  }
0xb8: {  	s31 =	sshll.u32 s1, $0xD;
	s1 =	sshrl.u32 s1, $0x2  }
0xb9: {  	s3 =	sand.u32 $0x4000, s31;
	s1 =	sadd.s32 s1, s30  }
0xba: {  	s0 =	sor.u32 s3, s0;
	s1 =	sshll.u32 s1, $0x11  }
0xbb: {  	s0 =	sor.u32 s1, s0  }
0xbc: {  	s0 =	sadd.s32 $0x8F2B, s0  }
0xbd: {  	[sflag:s0] =	ssyncadd.remote.s32 $0x1  }
0xbe: {  	_ =	sfence.sel $0xFFFF  }
0xbf: {  	[dreg:$0x0] =	wrdreg $0xFFFFFFFF;
	(pc) =	sbr.abs _section_cstart, $3  }
0xc0: {  	[dreg:$0x1] =	wrdreg $0xFFFFFFFF  }
0xc1: {  	_ =	task.clear_ibuf [dreg:s7], $0x2FFFF;
	_ =	strace $0x9FFFFFFF  }
0xc2: {  	(tm) =	ssettm $0x7FFFFFFF  }
0xc3: {  	_ =	shalt  }
tec
execute0_lowered:
.L_overlay_start_1:
0x0: {  	(tag) =	ssettag $0x1  }
0x1: {  	s0 =	rddreg [dreg:$0x0];
	s1 =	srdreg.scid  }
0x2: {  	s5 =	stileid.u32;
	s4 =	rddreg [dreg:$0x1];
	s2 =	simm.s32 $0x0  }
0x3: {  	s16 =	simm.s32 $0x2D00;
	s29 =	simm.s32 $0x8D00;
	s18 =	simm.s32 $0xED00  }
0x4: {  	s14 =	simm.s32 $0x18500;
	s17 =	simm.s32 $0x18D00;
	s19 =	simm.s32 $0x19500  }
0x5: {  	s28 =	simm.s32 $0x6;
	s30 =	simm.s32 $0x7;
	s31 =	simm.s32 $0x8  }
0x6: {  	s1 =	sand.u32 $0x1, s1;
	s3 =	sshll.u32 s5, $0x1;
	s5 =	smul.u32 $0x1E00, s5  }
0x7: {  	s3 =	sor.u32 s1, s3;
	s6 =	ssub.s32 $0x2, s1;
	s1 =	smul.u32 $0xF00, s1  }
0x8: {  	[smem:$0x7FF] =	sst s2;
	s3 =	smul.u32 $0xF00, s3;
	s8 =	sshrl.u32 s6, $0x1  }
0x9: {  	_ =	strace $0x80000047;
	s6 =	ssub.s32 s6, s8;
	s9 =	sadd.s32 s1, s5  }
0xa: {  	s8 =	sadd.s32 $0x8A00, s0;
	s3 =	sshrl.u32 s3, $0x3;
	s22 =	sshrl.u32 s9, $0x3  }
0xb: {  	s5 =	sor.u32 $0x20, s9;
	s23 =	sor.u32 $0x40, s9;
	[dreg:$0x4] =	wrdreg s9  }
0xc: {  	s9 =	sor.u32 $0x60, s9;
	s25 =	smax.u32 s6, $0x1;
	s7 =	sadd.s32 s3, s0  }
0xd: {  	s3 =	sadd.s32 $0x8800, s0;
	s1 =	smul.u32 $0x300, s22;
	s5 =	sshrl.u32 s5, $0x3  }
0xe: {  	s24 =	sshrl.u32 s23, $0x3;
	s9 =	sshrl.u32 s9, $0x3;
	[dreg:$0x6] =	wrdreg s25  }
0xf: {  	s22 =	simm.s32 $0x1;
	s23 =	simm.s32 $0x2;
	s5 =	smul.u32 $0x300, s5  }
0x10: {  	s25 =	simm.s32 $0x4;
	s20 =	sadd.s32 $0x1000, s7;
	s12 =	smul.u32 $0x300, s24  }
0x11: {  	s21 =	sadd.s32 $0x4C00, s7;
	s7 =	sadd.s32 $0x8900, s0;
	s26 =	smul.u32 $0x300, s9  }
.Ltmp0:
0x12: {  	s9 =	simm.s32 $0x17500;
	[dreg:$0x3] =	wrdreg s20;
	(pc) =	sbr.rel .LBB2_1-.Ltmp0, $4  }
0x13: {  	s24 =	simm.s32 $0x3;
	[dreg:$0x5] =	wrdreg s21;
	s10 =	sadd.s32 s1, s4  }
0x14: {  	v0 =	vlaneseq.u32;
	s1 =	simm.s32 $0x14D00;
	s20 =	simm.s32 $0x19D00;
	s21 =	simm.s32 $0x1A500  }
0x15: {  	vm0 =	vmmov $0xffff;
	v2 =	vshrl.u32 v0, $0x3;
	s11 =	sadd.s32 s5, s4;
	s12 =	sadd.s32 s12, s4;
	s13 =	sadd.s32 s26, s4  }
0x16: {  	v1 =	vand.u32 $0x7, v0;
	v3 =	vor.u32 $0x8, v0;
	v2 =	vmul.u32 $0x8, v2;
	s5 =	simm.s32 $0x17D00;
	s26 =	simm.s32 $0x5;
	s4 =	simm.s32 $0x0  }
.LBB2_6:
0x17: {  	_ =	swait.ge [sflag:s28], $0x6000  }
0x18: {  	[sflag:s28] =	ssyncset.done $0x0  }
0x19: {  	[sflag:s28] =	ssyncadd.s32 $0xFFFFA000  }
0x1a: {  	_ =	swait.ge [sflag:s30], $0x6000  }
0x1b: {  	[sflag:s30] =	ssyncset.done $0x0  }
0x1c: {  	[sflag:s30] =	ssyncadd.s32 $0xFFFFA000  }
0x1d: {  	_ =	swait.ge [sflag:s31], $0x6000  }
0x1e: {  	s4 =	rddreg [dreg:$0x7]  }
0x1f: {  	s0 =	rddreg [dreg:$0x6];
	s4 =	sadd.s32 $0x1, s4  }
0x20: {  	p0 =	sne.s32 s4, s0  }
.Ltmp1:
0x21: {  	_ = 	snop;
	(pc) =	sbr.rel @!p0 .LBB2_7-.Ltmp1, $3  }
0x22: {  	_ =	sdelay $0x1  }
0x23: {  	[sflag:s31] =	ssyncset.done $0x0  }
0x24: {  	[sflag:s31] =	ssyncadd.s32 $0xFFFFA000  }
.LBB2_1:
0x25: {  	[dreg:$0x7] =	wrdreg s4  }
0x26: {  	s0 =	rddreg [dreg:$0x3];
	s6 =	simm.s32 $0x9  }
0x27: {  	[tilespmem:s2], [sflag:$0x9] =	stream.linear.gather [hbm4b:s0+s2], $0xF00, $0x38;
	[tilespmem:$0x1AD00] =	vst v63  }
0x28: {  	_ =	swait.ge [sflag:s6], $0xF00  }
0x29: {  	[sflag:s6] =	ssyncset.done $0x0  }
0x2a: {  	s15 =	simm.s32 $0xF00;
	s4 =	rddreg [dreg:$0x5];
	[sflag:s6] =	ssyncadd.s32 $0xFFFFF100  }
0x2b: {  	[tilespmem:s15], [sflag:$0x9] =	stream.linear.gather [hbm4b:s4+s2], $0xF00, $0x38;
	[tilespmem:$0x1AD00] =	vst v63  }
0x2c: {  	_ =	swait.ge [sflag:s6], $0xF00  }
0x2d: {  	s4 =	rddreg [dreg:$0x4];
	[sflag:s6] =	ssyncset.done $0x0  }
0x2e: {  	s0 =	simm.s32 $0x0;
	v4 =	vor.u32 s4, v0;
	[sflag:s6] =	ssyncadd.s32 $0xFFFFF100  }
0x2f: {  	v6 =	vmulhi.u32 $0x88888889, v4;
	v5 =	vld [tilespmem:s0+$0x0];
	_ =	sdelay $0x1  }
0x30: {  	v6 =	vshrl.u32 v6, $0x4  }
0x31: {  	v7 =	vmul.u32 $0x1E, v6;
	v6 =	vld [tilespmem:s0+$0xF00]  }
0x32: {  	s15 =	simm.s32 $0x40;
	s4 =	sadd.s32 $0x10, s4  }
.LBB2_2:
0x33: {  	s6 =	sshra.s32 s15, $0x2;
	p0 =	sne.s32 s15, $0x3BC0;
	s15 =	sadd.s32 $0x40, s15;
	v7 =	vsub.s32 v4, v7;
	v4 =	vor.u32 s4, v0;
	v8 =	vmul.u32 $0x3C, v5  }
.Ltmp2:
0x34: {  	v9 =	vmulhi.u32 $0x88888889, v4;
	v5 =	vld [tilespmem:s6+$0x0];
	v7 =	vshll.u32 v7, $0x1;
	(pc) =	sbr.rel @p0 .LBB2_2-.Ltmp2, $4  }
0x35: {  	v7 =	vadd.s32 v7, v8  }
0x36: {  	v8 =	vshrl.u32 v9, $0x4;
	v9 =	vadd.s32 v6, v7  }
0x37: {  	v7 =	vmul.u32 $0x1E, v8;
	v6 =	vld [tilespmem:s6+$0xF00];
	[tilespmem:s0+$0x1E00] =	vst v9;
	s0 =	smov.u32 s6  }
0x38: {  	s4 =	sadd.s32 $0x10, s4  }
0x39: {  	v4 =	vsub.s32 v4, v7;
	v5 =	vmul.u32 $0x3C, v5  }
0x3a: {  	v4 =	vshll.u32 v4, $0x1  }
0x3b: {  	v4 =	vadd.s32 v4, v5  }
0x3c: {  	v4 =	vadd.s32 v6, v4  }
0x3d: {  	[tilespmem:s0+$0x1E00] =	vst v4  }
0x3e: {  	v4 =	vld [tilespmem:$0x1E00];
	_ =	sdelay $0x4  }
0x3f: {  	v5 =	vshrl.u32 v4, $0x3  }
0x40: {  	v5 =	vmul.u32 $0x30, v5  }
0x41: {  	v4 =	vand.u32 $0x7, v4  }
0x42: {  	v4 =	vor.u32 v4, v5  }
0x43: {  	v5 =	vperm.xlane v4, v1;
	_ =	sdelay $0x1  }
0x44: {  	v5 =	vadd.s32 v2, v5;
	_ =	sdelay $0x3  }
0x45: {  	s0 =	simm.s32 $0x0;
	v4 =	vperm.xlane v4, v3  }
0x46: {  	[tilespmem:s16], [sflag:$0x1] =	stream.indirect_vreg.gather [hbm4b:s3+s0], $0x80, v5, vm0, $0xb8;
	[tilespmem:$0x1AD00] =	vst v63  }
0x47: {  	s6 =	simm.s32 $0x3500;
	v4 =	vadd.s32 v2, v4  }
0x48: {  	[tilespmem:s6], [sflag:$0x1] =	stream.indirect_vreg.gather [hbm4b:s7+s0], $0x80, v5, vm0, $0xb8;
	[tilespmem:$0x1AD00] =	vst v63  }
0x49: {  	s4 =	simm.s32 $0x3D00  }
0x4a: {  	[tilespmem:s4], [sflag:$0x1] =	stream.indirect_vreg.gather [hbm4b:s8+s0], $0x80, v5, vm0, $0xb8;
	[tilespmem:$0x1AD00] =	vst v63  }
0x4b: {  	s15 =	simm.s32 $0x4500  }
0x4c: {  	[tilespmem:s15], [sflag:$0x1] =	stream.indirect_vreg.gather [hbm4b:s3+s0], $0x80, v4, vm0, $0xb8;
	[tilespmem:$0x1AD00] =	vst v63  }
0x4d: {  	s15 =	simm.s32 $0x4D00  }
0x4e: {  	[tilespmem:s15], [sflag:$0x1] =	stream.indirect_vreg.gather [hbm4b:s7+s0], $0x80, v4, vm0, $0xb8;
	[tilespmem:$0x1AD00] =	vst v63  }
0x4f: {  	s15 =	simm.s32 $0x5500  }
0x50: {  	[tilespmem:s15], [sflag:$0x1] =	stream.indirect_vreg.gather [hbm4b:s8+s0], $0x80, v4, vm0, $0xb8;
	[tilespmem:$0x1AD00] =	vst v63  }
0x51: {  	v4 =	vld [tilespmem:$0x1E10];
	_ =	sdelay $0x4  }
0x52: {  	v5 =	vshrl.u32 v4, $0x3  }
0x53: {  	v5 =	vmul.u32 $0x30, v5  }
0x54: {  	v4 =	vand.u32 $0x7, v4  }
0x55: {  	v4 =	vor.u32 v4, v5  }
0x56: {  	v5 =	vperm.xlane v4, v1;
	_ =	sdelay $0x1  }
0x57: {  	v5 =	vadd.s32 v2, v5;
	_ =	sdelay $0x3  }
0x58: {  	s15 =	simm.s32 $0x5D00;
	v4 =	vperm.xlane v4, v3  }
0x59: {  	[tilespmem:s15], [sflag:$0x1] =	stream.indirect_vreg.gather [hbm4b:s3+s0], $0x80, v5, vm0, $0xb8;
	[tilespmem:$0x1AD00] =	vst v63  }
0x5a: {  	v4 =	vadd.s32 v2, v4;
	s15 =	simm.s32 $0x6500  }
0x5b: {  	[tilespmem:s15], [sflag:$0x1] =	stream.indirect_vreg.gather [hbm4b:s7+s0], $0x80, v5, vm0, $0xb8;
	[tilespmem:$0x1AD00] =	vst v63  }
0x5c: {  	s15 =	simm.s32 $0x6D00  }
0x5d: {  	[tilespmem:s15], [sflag:$0x1] =	stream.indirect_vreg.gather [hbm4b:s8+s0], $0x80, v5, vm0, $0xb8;
	[tilespmem:$0x1AD00] =	vst v63  }
0x5e: {  	s15 =	simm.s32 $0x7500  }
0x5f: {  	[tilespmem:s15], [sflag:$0x1] =	stream.indirect_vreg.gather [hbm4b:s3+s0], $0x80, v4, vm0, $0xb8;
	[tilespmem:$0x1AD00] =	vst v63  }
0x60: {  	s15 =	simm.s32 $0x7D00  }
0x61: {  	[tilespmem:s15], [sflag:$0x1] =	stream.indirect_vreg.gather [hbm4b:s7+s0], $0x80, v4, vm0, $0xb8;
	[tilespmem:$0x1AD00] =	vst v63  }
0x62: {  	s15 =	simm.s32 $0x8500  }
0x63: {  	[tilespmem:s15], [sflag:$0x1] =	stream.indirect_vreg.gather [hbm4b:s8+s0], $0x80, v4, vm0, $0xb8;
	[tilespmem:$0x1AD00] =	vst v63  }
0x64: {  	v4 =	vld [tilespmem:$0x1E20];
	_ =	sdelay $0x4  }
0x65: {  	v5 =	vshrl.u32 v4, $0x3  }
0x66: {  	v5 =	vmul.u32 $0x30, v5  }
0x67: {  	v4 =	vand.u32 $0x7, v4  }
0x68: {  	v4 =	vor.u32 v4, v5  }
0x69: {  	v5 =	vperm.xlane v4, v1;
	_ =	sdelay $0x1  }
0x6a: {  	v5 =	vadd.s32 v2, v5;
	_ =	sdelay $0x3  }
0x6b: {  	v4 =	vperm.xlane v4, v3  }
0x6c: {  	[tilespmem:s29], [sflag:$0x2] =	stream.indirect_vreg.gather [hbm4b:s3+s0], $0x80, v5, vm0, $0xb8;
	[tilespmem:$0x1AD00] =	vst v63  }
0x6d: {  	s15 =	simm.s32 $0x9500;
	v4 =	vadd.s32 v2, v4  }
0x6e: {  	[tilespmem:s15], [sflag:$0x2] =	stream.indirect_vreg.gather [hbm4b:s7+s0], $0x80, v5, vm0, $0xb8;
	[tilespmem:$0x1AD00] =	vst v63  }
0x6f: {  	s15 =	simm.s32 $0x9D00  }
0x70: {  	[tilespmem:s15], [sflag:$0x2] =	stream.indirect_vreg.gather [hbm4b:s8+s0], $0x80, v5, vm0, $0xb8;
	[tilespmem:$0x1AD00] =	vst v63  }
0x71: {  	s15 =	simm.s32 $0xA500  }
0x72: {  	[tilespmem:s15], [sflag:$0x2] =	stream.indirect_vreg.gather [hbm4b:s3+s0], $0x80, v4, vm0, $0xb8;
	[tilespmem:$0x1AD00] =	vst v63  }
0x73: {  	s15 =	simm.s32 $0xAD00  }
0x74: {  	[tilespmem:s15], [sflag:$0x2] =	stream.indirect_vreg.gather [hbm4b:s7+s0], $0x80, v4, vm0, $0xb8;
	[tilespmem:$0x1AD00] =	vst v63  }
0x75: {  	s15 =	simm.s32 $0xB500  }
0x76: {  	[tilespmem:s15], [sflag:$0x2] =	stream.indirect_vreg.gather [hbm4b:s8+s0], $0x80, v4, vm0, $0xb8;
	[tilespmem:$0x1AD00] =	vst v63  }
0x77: {  	v4 =	vld [tilespmem:$0x1E30];
	_ =	sdelay $0x4  }
0x78: {  	v5 =	vshrl.u32 v4, $0x3  }
0x79: {  	v5 =	vmul.u32 $0x30, v5  }
0x7a: {  	v4 =	vand.u32 $0x7, v4  }
0x7b: {  	v4 =	vor.u32 v4, v5  }
0x7c: {  	v5 =	vperm.xlane v4, v1;
	_ =	sdelay $0x1  }
0x7d: {  	v5 =	vadd.s32 v2, v5;
	_ =	sdelay $0x3  }
0x7e: {  	s15 =	simm.s32 $0xBD00;
	v4 =	vperm.xlane v4, v3  }
0x7f: {  	[tilespmem:s15], [sflag:$0x2] =	stream.indirect_vreg.gather [hbm4b:s3+s0], $0x80, v5, vm0, $0xb8;
	[tilespmem:$0x1AD00] =	vst v63  }
0x80: {  	v4 =	vadd.s32 v2, v4;
	s15 =	simm.s32 $0xC500  }
0x81: {  	[tilespmem:s15], [sflag:$0x2] =	stream.indirect_vreg.gather [hbm4b:s7+s0], $0x80, v5, vm0, $0xb8;
	[tilespmem:$0x1AD00] =	vst v63  }
0x82: {  	s15 =	simm.s32 $0xCD00  }
0x83: {  	[tilespmem:s15], [sflag:$0x2] =	stream.indirect_vreg.gather [hbm4b:s8+s0], $0x80, v5, vm0, $0xb8;
	[tilespmem:$0x1AD00] =	vst v63  }
0x84: {  	s15 =	simm.s32 $0xD500  }
0x85: {  	[tilespmem:s15], [sflag:$0x2] =	stream.indirect_vreg.gather [hbm4b:s3+s0], $0x80, v4, vm0, $0xb8;
	[tilespmem:$0x1AD00] =	vst v63  }
0x86: {  	s15 =	simm.s32 $0xDD00  }
0x87: {  	[tilespmem:s15], [sflag:$0x2] =	stream.indirect_vreg.gather [hbm4b:s7+s0], $0x80, v4, vm0, $0xb8;
	[tilespmem:$0x1AD00] =	vst v63  }
0x88: {  	s15 =	simm.s32 $0xE500  }
0x89: {  	[tilespmem:s15], [sflag:$0x2] =	stream.indirect_vreg.gather [hbm4b:s8+s0], $0x80, v4, vm0, $0xb8;
	[tilespmem:$0x1AD00] =	vst v63  }
0x8a: {  	v4 =	vld [tilespmem:$0x1E40];
	_ =	sdelay $0x4  }
0x8b: {  	v5 =	vshrl.u32 v4, $0x3  }
0x8c: {  	v5 =	vmul.u32 $0x30, v5  }
0x8d: {  	v4 =	vand.u32 $0x7, v4  }
0x8e: {  	v4 =	vor.u32 v4, v5  }
0x8f: {  	v5 =	vperm.xlane v4, v1;
	_ =	sdelay $0x1  }
0x90: {  	v5 =	vadd.s32 v2, v5;
	_ =	sdelay $0x3  }
0x91: {  	v4 =	vperm.xlane v4, v3  }
0x92: {  	[tilespmem:s18], [sflag:$0x3] =	stream.indirect_vreg.gather [hbm4b:s3+s0], $0x80, v5, vm0, $0xb8;
	[tilespmem:$0x1AD00] =	vst v63  }
0x93: {  	s15 =	simm.s32 $0xF500;
	v4 =	vadd.s32 v2, v4  }
0x94: {  	[tilespmem:s15], [sflag:$0x3] =	stream.indirect_vreg.gather [hbm4b:s7+s0], $0x80, v5, vm0, $0xb8;
	[tilespmem:$0x1AD00] =	vst v63  }
0x95: {  	s15 =	simm.s32 $0xFD00  }
0x96: {  	[tilespmem:s15], [sflag:$0x3] =	stream.indirect_vreg.gather [hbm4b:s8+s0], $0x80, v5, vm0, $0xb8;
	[tilespmem:$0x1AD00] =	vst v63  }
0x97: {  	s15 =	simm.s32 $0x10500  }
0x98: {  	[tilespmem:s15], [sflag:$0x3] =	stream.indirect_vreg.gather [hbm4b:s3+s0], $0x80, v4, vm0, $0xb8;
	[tilespmem:$0x1AD00] =	vst v63  }
0x99: {  	s15 =	simm.s32 $0x10D00  }
0x9a: {  	[tilespmem:s15], [sflag:$0x3] =	stream.indirect_vreg.gather [hbm4b:s7+s0], $0x80, v4, vm0, $0xb8;
	[tilespmem:$0x1AD00] =	vst v63  }
0x9b: {  	s15 =	simm.s32 $0x11500  }
0x9c: {  	[tilespmem:s15], [sflag:$0x3] =	stream.indirect_vreg.gather [hbm4b:s8+s0], $0x80, v4, vm0, $0xb8;
	[tilespmem:$0x1AD00] =	vst v63  }
0x9d: {  	v4 =	vld [tilespmem:$0x1E50];
	_ =	sdelay $0x4  }
0x9e: {  	v5 =	vshrl.u32 v4, $0x3  }
0x9f: {  	v5 =	vmul.u32 $0x30, v5  }
0xa0: {  	v4 =	vand.u32 $0x7, v4  }
0xa1: {  	v4 =	vor.u32 v4, v5  }
0xa2: {  	v5 =	vperm.xlane v4, v1;
	_ =	sdelay $0x1  }
0xa3: {  	v5 =	vadd.s32 v2, v5;
	_ =	sdelay $0x3  }
0xa4: {  	s15 =	simm.s32 $0x11D00;
	v4 =	vperm.xlane v4, v3  }
0xa5: {  	[tilespmem:s15], [sflag:$0x3] =	stream.indirect_vreg.gather [hbm4b:s3+s0], $0x80, v5, vm0, $0xb8;
	[tilespmem:$0x1AD00] =	vst v63  }
0xa6: {  	v4 =	vadd.s32 v2, v4;
	s15 =	simm.s32 $0x12500  }
0xa7: {  	[tilespmem:s15], [sflag:$0x3] =	stream.indirect_vreg.gather [hbm4b:s7+s0], $0x80, v5, vm0, $0xb8;
	[tilespmem:$0x1AD00] =	vst v63  }
0xa8: {  	s15 =	simm.s32 $0x12D00  }
0xa9: {  	[tilespmem:s15], [sflag:$0x3] =	stream.indirect_vreg.gather [hbm4b:s8+s0], $0x80, v5, vm0, $0xb8;
	[tilespmem:$0x1AD00] =	vst v63  }
0xaa: {  	s15 =	simm.s32 $0x13500  }
0xab: {  	[tilespmem:s15], [sflag:$0x3] =	stream.indirect_vreg.gather [hbm4b:s3+s0], $0x80, v4, vm0, $0xb8;
	[tilespmem:$0x1AD00] =	vst v63  }
0xac: {  	s15 =	simm.s32 $0x13D00  }
0xad: {  	[tilespmem:s15], [sflag:$0x3] =	stream.indirect_vreg.gather [hbm4b:s7+s0], $0x80, v4, vm0, $0xb8;
	[tilespmem:$0x1AD00] =	vst v63  }
0xae: {  	s15 =	simm.s32 $0x14500  }
0xaf: {  	[tilespmem:s15], [sflag:$0x3] =	stream.indirect_vreg.gather [hbm4b:s8+s0], $0x80, v4, vm0, $0xb8;
	[tilespmem:$0x1AD00] =	vst v63  }
0xb0: {  	v4 =	vld [tilespmem:$0x1E60];
	_ =	sdelay $0x4  }
0xb1: {  	v5 =	vshrl.u32 v4, $0x3  }
0xb2: {  	v5 =	vmul.u32 $0x30, v5  }
0xb3: {  	v4 =	vand.u32 $0x7, v4  }
0xb4: {  	v4 =	vor.u32 v4, v5  }
0xb5: {  	v5 =	vperm.xlane v4, v1;
	_ =	sdelay $0x1  }
0xb6: {  	v5 =	vadd.s32 v2, v5;
	_ =	sdelay $0x3  }
0xb7: {  	v4 =	vperm.xlane v4, v3  }
0xb8: {  	[tilespmem:s1], [sflag:$0x4] =	stream.indirect_vreg.gather [hbm4b:s3+s0], $0x80, v5, vm0, $0xb8;
	[tilespmem:$0x1AD00] =	vst v63  }
0xb9: {  	s15 =	simm.s32 $0x15500;
	v4 =	vadd.s32 v2, v4  }
0xba: {  	[tilespmem:s15], [sflag:$0x4] =	stream.indirect_vreg.gather [hbm4b:s7+s0], $0x80, v5, vm0, $0xb8;
	[tilespmem:$0x1AD00] =	vst v63  }
0xbb: {  	s15 =	simm.s32 $0x15D00  }
0xbc: {  	[tilespmem:s15], [sflag:$0x4] =	stream.indirect_vreg.gather [hbm4b:s8+s0], $0x80, v5, vm0, $0xb8;
	[tilespmem:$0x1AD00] =	vst v63  }
0xbd: {  	s15 =	simm.s32 $0x16500  }
0xbe: {  	[tilespmem:s15], [sflag:$0x4] =	stream.indirect_vreg.gather [hbm4b:s3+s0], $0x80, v4, vm0, $0xb8;
	[tilespmem:$0x1AD00] =	vst v63  }
0xbf: {  	s15 =	simm.s32 $0x16D00  }
0xc0: {  	[tilespmem:s15], [sflag:$0x4] =	stream.indirect_vreg.gather [hbm4b:s7+s0], $0x80, v4, vm0, $0xb8;
	[tilespmem:$0x1AD00] =	vst v63  }
0xc1: {  	_ = 	snop  }
0xc2: {  	[tilespmem:s9], [sflag:$0x4] =	stream.indirect_vreg.gather [hbm4b:s8+s0], $0x80, v4, vm0, $0xb8;
	[tilespmem:$0x1AD00] =	vst v63  }
0xc3: {  	v4 =	vld [tilespmem:$0x1E70];
	_ =	sdelay $0x4  }
0xc4: {  	v5 =	vshrl.u32 v4, $0x3  }
0xc5: {  	v5 =	vmul.u32 $0x30, v5  }
0xc6: {  	v4 =	vand.u32 $0x7, v4  }
0xc7: {  	v4 =	vor.u32 v4, v5  }
0xc8: {  	v5 =	vperm.xlane v4, v1;
	_ =	sdelay $0x1  }
0xc9: {  	v5 =	vadd.s32 v2, v5;
	_ =	sdelay $0x3  }
0xca: {  	v4 =	vperm.xlane v4, v3  }
0xcb: {  	[tilespmem:s5], [sflag:$0x4] =	stream.indirect_vreg.gather [hbm4b:s3+s0], $0x80, v5, vm0, $0xb8;
	[tilespmem:$0x1AD00] =	vst v63  }
0xcc: {  	v4 =	vadd.s32 v2, v4  }
0xcd: {  	[tilespmem:s14], [sflag:$0x4] =	stream.indirect_vreg.gather [hbm4b:s7+s0], $0x80, v5, vm0, $0xb8;
	[tilespmem:$0x1AD00] =	vst v63  }
0xce: {  	_ = 	snop  }
0xcf: {  	[tilespmem:s17], [sflag:$0x4] =	stream.indirect_vreg.gather [hbm4b:s8+s0], $0x80, v5, vm0, $0xb8;
	[tilespmem:$0x1AD00] =	vst v63  }
0xd0: {  	_ = 	snop  }
0xd1: {  	[tilespmem:s19], [sflag:$0x4] =	stream.indirect_vreg.gather [hbm4b:s3+s0], $0x80, v4, vm0, $0xb8;
	[tilespmem:$0x1AD00] =	vst v63  }
0xd2: {  	_ = 	snop  }
0xd3: {  	[tilespmem:s20], [sflag:$0x4] =	stream.indirect_vreg.gather [hbm4b:s7+s0], $0x80, v4, vm0, $0xb8;
	[tilespmem:$0x1AD00] =	vst v63  }
0xd4: {  	s15 =	simm.s32 $0x1EF0  }
0xd5: {  	[tilespmem:s21], [sflag:$0x4] =	stream.indirect_vreg.gather [hbm4b:s8+s0], $0x80, v4, vm0, $0xb8;
	[tilespmem:$0x1AD00] =	vst v63  }
.LBB2_4:
0xd6: {  	_ =	swait.ge [sflag:s22], $0x6000  }
0xd7: {  	[sflag:s22] =	ssyncset.done $0x0  }
0xd8: {  	s4 =	sadd.s32 s0, s10;
	[sflag:s22] =	ssyncadd.s32 $0xFFFFA000  }
0xd9: {  	[hbm4b:s4+s2] =	stream.linear.scatter [tilespmem:s16], [sflag:$0x5], $0x6000, $0x38;
	[tilespmem:$0x1AD00] =	vst v63  }
0xda: {  	_ =	swait.ge [sflag:s23], $0x6000  }
0xdb: {  	[sflag:s23] =	ssyncset.done $0x0  }
0xdc: {  	s4 =	sadd.s32 s0, s11;
	[sflag:s23] =	ssyncadd.s32 $0xFFFFA000  }
0xdd: {  	[hbm4b:s4+s2] =	stream.linear.scatter [tilespmem:s29], [sflag:$0x6], $0x6000, $0x38;
	[tilespmem:$0x1AD00] =	vst v63  }
0xde: {  	_ =	swait.ge [sflag:s24], $0x6000  }
0xdf: {  	[sflag:s24] =	ssyncset.done $0x0  }
0xe0: {  	s4 =	sadd.s32 s0, s12;
	[sflag:s24] =	ssyncadd.s32 $0xFFFFA000  }
0xe1: {  	[hbm4b:s4+s2] =	stream.linear.scatter [tilespmem:s18], [sflag:$0x7], $0x6000, $0x38;
	[tilespmem:$0x1AD00] =	vst v63  }
0xe2: {  	_ =	swait.ge [sflag:s25], $0x6000  }
0xe3: {  	p0 =	seq.s32 s0, $0x57000;
	[sflag:s25] =	ssyncset.done $0x0  }
.Ltmp3:
0xe4: {  	s4 =	sadd.s32 s0, s13;
	[sflag:s25] =	ssyncadd.s32 $0xFFFFA000;
	(pc) =	sbr.rel @p0 .LBB2_6-.Ltmp3, $4  }
0xe5: {  	[hbm4b:s4+s2] =	stream.linear.scatter [tilespmem:s1], [sflag:$0x8], $0x6000, $0x38;
	[tilespmem:$0x1AD00] =	vst v63  }
0xe6: {  	_ =	swait.ge [sflag:s26], $0x6000  }
0xe7: {  	[sflag:s26] =	ssyncset.done $0x0  }
0xe8: {  	[sflag:s26] =	ssyncadd.s32 $0xFFFFA000  }
0xe9: {  	v4 =	vld [tilespmem:s15+$0xFFFFFF90];
	_ =	sdelay $0x4  }
0xea: {  	v5 =	vshrl.u32 v4, $0x3  }
0xeb: {  	v5 =	vmul.u32 $0x30, v5  }
0xec: {  	v4 =	vand.u32 $0x7, v4  }
0xed: {  	v4 =	vor.u32 v4, v5  }
0xee: {  	v5 =	vperm.xlane v4, v1;
	_ =	sdelay $0x1  }
0xef: {  	v5 =	vadd.s32 v2, v5;
	_ =	sdelay $0x3  }
0xf0: {  	v4 =	vperm.xlane v4, v3  }
0xf1: {  	[tilespmem:s16], [sflag:$0x1] =	stream.indirect_vreg.gather [hbm4b:s3+s2], $0x80, v5, vm0, $0xb8;
	[tilespmem:$0x1AD00] =	vst v63  }
0xf2: {  	v4 =	vadd.s32 v2, v4  }
0xf3: {  	[tilespmem:s6], [sflag:$0x1] =	stream.indirect_vreg.gather [hbm4b:s7+s2], $0x80, v5, vm0, $0xb8;
	[tilespmem:$0x1AD00] =	vst v63  }
0xf4: {  	s4 =	simm.s32 $0x3D00  }
0xf5: {  	[tilespmem:s4], [sflag:$0x1] =	stream.indirect_vreg.gather [hbm4b:s8+s2], $0x80, v5, vm0, $0xb8;
	[tilespmem:$0x1AD00] =	vst v63  }
0xf6: {  	s4 =	simm.s32 $0x4500  }
0xf7: {  	[tilespmem:s4], [sflag:$0x1] =	stream.indirect_vreg.gather [hbm4b:s3+s2], $0x80, v4, vm0, $0xb8;
	[tilespmem:$0x1AD00] =	vst v63  }
0xf8: {  	s4 =	simm.s32 $0x4D00  }
0xf9: {  	[tilespmem:s4], [sflag:$0x1] =	stream.indirect_vreg.gather [hbm4b:s7+s2], $0x80, v4, vm0, $0xb8;
	[tilespmem:$0x1AD00] =	vst v63  }
0xfa: {  	s4 =	simm.s32 $0x5500  }
0xfb: {  	[tilespmem:s4], [sflag:$0x1] =	stream.indirect_vreg.gather [hbm4b:s8+s2], $0x80, v4, vm0, $0xb8;
	[tilespmem:$0x1AD00] =	vst v63  }
0xfc: {  	v4 =	vld [tilespmem:s15+$0xFFFFFFA0];
	_ =	sdelay $0x4  }
0xfd: {  	v5 =	vshrl.u32 v4, $0x3  }
0xfe: {  	v5 =	vmul.u32 $0x30, v5  }
0xff: {  	v4 =	vand.u32 $0x7, v4  }
0x100: {  	v4 =	vor.u32 v4, v5  }
0x101: {  	v5 =	vperm.xlane v4, v1;
	_ =	sdelay $0x1  }
0x102: {  	v5 =	vadd.s32 v2, v5;
	_ =	sdelay $0x3  }
0x103: {  	s4 =	simm.s32 $0x5D00;
	v4 =	vperm.xlane v4, v3  }
0x104: {  	[tilespmem:s4], [sflag:$0x1] =	stream.indirect_vreg.gather [hbm4b:s3+s2], $0x80, v5, vm0, $0xb8;
	[tilespmem:$0x1AD00] =	vst v63  }
0x105: {  	v4 =	vadd.s32 v2, v4;
	s4 =	simm.s32 $0x6500  }
0x106: {  	[tilespmem:s4], [sflag:$0x1] =	stream.indirect_vreg.gather [hbm4b:s7+s2], $0x80, v5, vm0, $0xb8;
	[tilespmem:$0x1AD00] =	vst v63  }
0x107: {  	s4 =	simm.s32 $0x6D00  }
0x108: {  	[tilespmem:s4], [sflag:$0x1] =	stream.indirect_vreg.gather [hbm4b:s8+s2], $0x80, v5, vm0, $0xb8;
	[tilespmem:$0x1AD00] =	vst v63  }
0x109: {  	s4 =	simm.s32 $0x7500  }
0x10a: {  	[tilespmem:s4], [sflag:$0x1] =	stream.indirect_vreg.gather [hbm4b:s3+s2], $0x80, v4, vm0, $0xb8;
	[tilespmem:$0x1AD00] =	vst v63  }
0x10b: {  	s4 =	simm.s32 $0x7D00  }
0x10c: {  	[tilespmem:s4], [sflag:$0x1] =	stream.indirect_vreg.gather [hbm4b:s7+s2], $0x80, v4, vm0, $0xb8;
	[tilespmem:$0x1AD00] =	vst v63  }
0x10d: {  	s4 =	simm.s32 $0x8500  }
0x10e: {  	[tilespmem:s4], [sflag:$0x1] =	stream.indirect_vreg.gather [hbm4b:s8+s2], $0x80, v4, vm0, $0xb8;
	[tilespmem:$0x1AD00] =	vst v63  }
0x10f: {  	_ =	swait.ge [sflag:s28], $0x6000  }
0x110: {  	[sflag:s28] =	ssyncset.done $0x0  }
0x111: {  	[sflag:s28] =	ssyncadd.s32 $0xFFFFA000  }
0x112: {  	v4 =	vld [tilespmem:s15+$0xFFFFFFB0];
	_ =	sdelay $0x4  }
0x113: {  	v5 =	vshrl.u32 v4, $0x3  }
0x114: {  	v5 =	vmul.u32 $0x30, v5  }
0x115: {  	v4 =	vand.u32 $0x7, v4  }
0x116: {  	v4 =	vor.u32 v4, v5  }
0x117: {  	v5 =	vperm.xlane v4, v1;
	_ =	sdelay $0x1  }
0x118: {  	v5 =	vadd.s32 v2, v5;
	_ =	sdelay $0x3  }
0x119: {  	v4 =	vperm.xlane v4, v3  }
0x11a: {  	[tilespmem:s29], [sflag:$0x2] =	stream.indirect_vreg.gather [hbm4b:s3+s2], $0x80, v5, vm0, $0xb8;
	[tilespmem:$0x1AD00] =	vst v63  }
0x11b: {  	s4 =	simm.s32 $0x9500;
	v4 =	vadd.s32 v2, v4  }
0x11c: {  	[tilespmem:s4], [sflag:$0x2] =	stream.indirect_vreg.gather [hbm4b:s7+s2], $0x80, v5, vm0, $0xb8;
	[tilespmem:$0x1AD00] =	vst v63  }
0x11d: {  	s4 =	simm.s32 $0x9D00  }
0x11e: {  	[tilespmem:s4], [sflag:$0x2] =	stream.indirect_vreg.gather [hbm4b:s8+s2], $0x80, v5, vm0, $0xb8;
	[tilespmem:$0x1AD00] =	vst v63  }
0x11f: {  	s4 =	simm.s32 $0xA500  }
0x120: {  	[tilespmem:s4], [sflag:$0x2] =	stream.indirect_vreg.gather [hbm4b:s3+s2], $0x80, v4, vm0, $0xb8;
	[tilespmem:$0x1AD00] =	vst v63  }
0x121: {  	s4 =	simm.s32 $0xAD00  }
0x122: {  	[tilespmem:s4], [sflag:$0x2] =	stream.indirect_vreg.gather [hbm4b:s7+s2], $0x80, v4, vm0, $0xb8;
	[tilespmem:$0x1AD00] =	vst v63  }
0x123: {  	s4 =	simm.s32 $0xB500  }
0x124: {  	[tilespmem:s4], [sflag:$0x2] =	stream.indirect_vreg.gather [hbm4b:s8+s2], $0x80, v4, vm0, $0xb8;
	[tilespmem:$0x1AD00] =	vst v63  }
0x125: {  	v4 =	vld [tilespmem:s15+$0xFFFFFFC0];
	_ =	sdelay $0x4  }
0x126: {  	v5 =	vshrl.u32 v4, $0x3  }
0x127: {  	v5 =	vmul.u32 $0x30, v5  }
0x128: {  	v4 =	vand.u32 $0x7, v4  }
0x129: {  	v4 =	vor.u32 v4, v5  }
0x12a: {  	v5 =	vperm.xlane v4, v1;
	_ =	sdelay $0x1  }
0x12b: {  	v5 =	vadd.s32 v2, v5;
	_ =	sdelay $0x3  }
0x12c: {  	s4 =	simm.s32 $0xBD00;
	v4 =	vperm.xlane v4, v3  }
0x12d: {  	[tilespmem:s4], [sflag:$0x2] =	stream.indirect_vreg.gather [hbm4b:s3+s2], $0x80, v5, vm0, $0xb8;
	[tilespmem:$0x1AD00] =	vst v63  }
0x12e: {  	v4 =	vadd.s32 v2, v4;
	s4 =	simm.s32 $0xC500  }
0x12f: {  	[tilespmem:s4], [sflag:$0x2] =	stream.indirect_vreg.gather [hbm4b:s7+s2], $0x80, v5, vm0, $0xb8;
	[tilespmem:$0x1AD00] =	vst v63  }
0x130: {  	s4 =	simm.s32 $0xCD00  }
0x131: {  	[tilespmem:s4], [sflag:$0x2] =	stream.indirect_vreg.gather [hbm4b:s8+s2], $0x80, v5, vm0, $0xb8;
	[tilespmem:$0x1AD00] =	vst v63  }
0x132: {  	s4 =	simm.s32 $0xD500  }
0x133: {  	[tilespmem:s4], [sflag:$0x2] =	stream.indirect_vreg.gather [hbm4b:s3+s2], $0x80, v4, vm0, $0xb8;
	[tilespmem:$0x1AD00] =	vst v63  }
0x134: {  	s4 =	simm.s32 $0xDD00  }
0x135: {  	[tilespmem:s4], [sflag:$0x2] =	stream.indirect_vreg.gather [hbm4b:s7+s2], $0x80, v4, vm0, $0xb8;
	[tilespmem:$0x1AD00] =	vst v63  }
0x136: {  	s4 =	simm.s32 $0xE500  }
0x137: {  	[tilespmem:s4], [sflag:$0x2] =	stream.indirect_vreg.gather [hbm4b:s8+s2], $0x80, v4, vm0, $0xb8;
	[tilespmem:$0x1AD00] =	vst v63  }
0x138: {  	_ =	swait.ge [sflag:s30], $0x6000  }
0x139: {  	[sflag:s30] =	ssyncset.done $0x0  }
0x13a: {  	[sflag:s30] =	ssyncadd.s32 $0xFFFFA000  }
0x13b: {  	v4 =	vld [tilespmem:s15+$0xFFFFFFD0];
	_ =	sdelay $0x4  }
0x13c: {  	v5 =	vshrl.u32 v4, $0x3  }
0x13d: {  	v5 =	vmul.u32 $0x30, v5  }
0x13e: {  	v4 =	vand.u32 $0x7, v4  }
0x13f: {  	v4 =	vor.u32 v4, v5  }
0x140: {  	v5 =	vperm.xlane v4, v1;
	_ =	sdelay $0x1  }
0x141: {  	v5 =	vadd.s32 v2, v5;
	_ =	sdelay $0x3  }
0x142: {  	v4 =	vperm.xlane v4, v3  }
0x143: {  	[tilespmem:s18], [sflag:$0x3] =	stream.indirect_vreg.gather [hbm4b:s3+s2], $0x80, v5, vm0, $0xb8;
	[tilespmem:$0x1AD00] =	vst v63  }
0x144: {  	s4 =	simm.s32 $0xF500;
	v4 =	vadd.s32 v2, v4  }
0x145: {  	[tilespmem:s4], [sflag:$0x3] =	stream.indirect_vreg.gather [hbm4b:s7+s2], $0x80, v5, vm0, $0xb8;
	[tilespmem:$0x1AD00] =	vst v63  }
0x146: {  	s4 =	simm.s32 $0xFD00  }
0x147: {  	[tilespmem:s4], [sflag:$0x3] =	stream.indirect_vreg.gather [hbm4b:s8+s2], $0x80, v5, vm0, $0xb8;
	[tilespmem:$0x1AD00] =	vst v63  }
0x148: {  	s4 =	simm.s32 $0x10500  }
0x149: {  	[tilespmem:s4], [sflag:$0x3] =	stream.indirect_vreg.gather [hbm4b:s3+s2], $0x80, v4, vm0, $0xb8;
	[tilespmem:$0x1AD00] =	vst v63  }
0x14a: {  	s4 =	simm.s32 $0x10D00  }
0x14b: {  	[tilespmem:s4], [sflag:$0x3] =	stream.indirect_vreg.gather [hbm4b:s7+s2], $0x80, v4, vm0, $0xb8;
	[tilespmem:$0x1AD00] =	vst v63  }
0x14c: {  	s4 =	simm.s32 $0x11500  }
0x14d: {  	[tilespmem:s4], [sflag:$0x3] =	stream.indirect_vreg.gather [hbm4b:s8+s2], $0x80, v4, vm0, $0xb8;
	[tilespmem:$0x1AD00] =	vst v63  }
0x14e: {  	v4 =	vld [tilespmem:s15+$0xFFFFFFE0];
	_ =	sdelay $0x4  }
0x14f: {  	v5 =	vshrl.u32 v4, $0x3  }
0x150: {  	v5 =	vmul.u32 $0x30, v5  }
0x151: {  	v4 =	vand.u32 $0x7, v4  }
0x152: {  	v4 =	vor.u32 v4, v5  }
0x153: {  	v5 =	vperm.xlane v4, v1;
	_ =	sdelay $0x1  }
0x154: {  	v5 =	vadd.s32 v2, v5;
	_ =	sdelay $0x3  }
0x155: {  	s4 =	simm.s32 $0x11D00;
	v4 =	vperm.xlane v4, v3  }
0x156: {  	[tilespmem:s4], [sflag:$0x3] =	stream.indirect_vreg.gather [hbm4b:s3+s2], $0x80, v5, vm0, $0xb8;
	[tilespmem:$0x1AD00] =	vst v63  }
0x157: {  	v4 =	vadd.s32 v2, v4;
	s4 =	simm.s32 $0x12500  }
0x158: {  	[tilespmem:s4], [sflag:$0x3] =	stream.indirect_vreg.gather [hbm4b:s7+s2], $0x80, v5, vm0, $0xb8;
	[tilespmem:$0x1AD00] =	vst v63  }
0x159: {  	s4 =	simm.s32 $0x12D00  }
0x15a: {  	[tilespmem:s4], [sflag:$0x3] =	stream.indirect_vreg.gather [hbm4b:s8+s2], $0x80, v5, vm0, $0xb8;
	[tilespmem:$0x1AD00] =	vst v63  }
0x15b: {  	s4 =	simm.s32 $0x13500  }
0x15c: {  	[tilespmem:s4], [sflag:$0x3] =	stream.indirect_vreg.gather [hbm4b:s3+s2], $0x80, v4, vm0, $0xb8;
	[tilespmem:$0x1AD00] =	vst v63  }
0x15d: {  	s4 =	simm.s32 $0x13D00  }
0x15e: {  	[tilespmem:s4], [sflag:$0x3] =	stream.indirect_vreg.gather [hbm4b:s7+s2], $0x80, v4, vm0, $0xb8;
	[tilespmem:$0x1AD00] =	vst v63  }
0x15f: {  	s4 =	simm.s32 $0x14500  }
0x160: {  	[tilespmem:s4], [sflag:$0x3] =	stream.indirect_vreg.gather [hbm4b:s8+s2], $0x80, v4, vm0, $0xb8;
	[tilespmem:$0x1AD00] =	vst v63  }
0x161: {  	_ =	swait.ge [sflag:s31], $0x6000  }
0x162: {  	[sflag:s31] =	ssyncset.done $0x0  }
0x163: {  	[sflag:s31] =	ssyncadd.s32 $0xFFFFA000  }
0x164: {  	v4 =	vld [tilespmem:s15+$0xFFFFFFF0];
	_ =	sdelay $0x4  }
0x165: {  	v5 =	vshrl.u32 v4, $0x3  }
0x166: {  	v5 =	vmul.u32 $0x30, v5  }
0x167: {  	v4 =	vand.u32 $0x7, v4  }
0x168: {  	v4 =	vor.u32 v4, v5  }
0x169: {  	v5 =	vperm.xlane v4, v1;
	_ =	sdelay $0x1  }
0x16a: {  	v5 =	vadd.s32 v2, v5;
	_ =	sdelay $0x3  }
0x16b: {  	v4 =	vperm.xlane v4, v3  }
0x16c: {  	[tilespmem:s1], [sflag:$0x4] =	stream.indirect_vreg.gather [hbm4b:s3+s2], $0x80, v5, vm0, $0xb8;
	[tilespmem:$0x1AD00] =	vst v63  }
0x16d: {  	s4 =	simm.s32 $0x15500;
	v4 =	vadd.s32 v2, v4  }
0x16e: {  	[tilespmem:s4], [sflag:$0x4] =	stream.indirect_vreg.gather [hbm4b:s7+s2], $0x80, v5, vm0, $0xb8;
	[tilespmem:$0x1AD00] =	vst v63  }
0x16f: {  	s4 =	simm.s32 $0x15D00  }
0x170: {  	[tilespmem:s4], [sflag:$0x4] =	stream.indirect_vreg.gather [hbm4b:s8+s2], $0x80, v5, vm0, $0xb8;
	[tilespmem:$0x1AD00] =	vst v63  }
0x171: {  	s4 =	simm.s32 $0x16500  }
0x172: {  	[tilespmem:s4], [sflag:$0x4] =	stream.indirect_vreg.gather [hbm4b:s3+s2], $0x80, v4, vm0, $0xb8;
	[tilespmem:$0x1AD00] =	vst v63  }
0x173: {  	s4 =	simm.s32 $0x16D00  }
0x174: {  	[tilespmem:s4], [sflag:$0x4] =	stream.indirect_vreg.gather [hbm4b:s7+s2], $0x80, v4, vm0, $0xb8;
	[tilespmem:$0x1AD00] =	vst v63  }
0x175: {  	_ = 	snop  }
0x176: {  	[tilespmem:s9], [sflag:$0x4] =	stream.indirect_vreg.gather [hbm4b:s8+s2], $0x80, v4, vm0, $0xb8;
	[tilespmem:$0x1AD00] =	vst v63  }
0x177: {  	v4 =	vld [tilespmem:s15+$0x0];
	_ =	sdelay $0x4  }
0x178: {  	v5 =	vshrl.u32 v4, $0x3  }
0x179: {  	v5 =	vmul.u32 $0x30, v5  }
0x17a: {  	v4 =	vand.u32 $0x7, v4  }
0x17b: {  	v4 =	vor.u32 v4, v5  }
0x17c: {  	v5 =	vperm.xlane v4, v1;
	_ =	sdelay $0x1  }
0x17d: {  	v5 =	vadd.s32 v2, v5;
	_ =	sdelay $0x3  }
0x17e: {  	v4 =	vperm.xlane v4, v3  }
0x17f: {  	[tilespmem:s5], [sflag:$0x4] =	stream.indirect_vreg.gather [hbm4b:s3+s2], $0x80, v5, vm0, $0xb8;
	[tilespmem:$0x1AD00] =	vst v63  }
0x180: {  	v4 =	vadd.s32 v2, v4  }
0x181: {  	[tilespmem:s14], [sflag:$0x4] =	stream.indirect_vreg.gather [hbm4b:s7+s2], $0x80, v5, vm0, $0xb8;
	[tilespmem:$0x1AD00] =	vst v63  }
0x182: {  	_ = 	snop  }
0x183: {  	[tilespmem:s17], [sflag:$0x4] =	stream.indirect_vreg.gather [hbm4b:s8+s2], $0x80, v5, vm0, $0xb8;
	[tilespmem:$0x1AD00] =	vst v63  }
0x184: {  	_ = 	snop  }
0x185: {  	[tilespmem:s19], [sflag:$0x4] =	stream.indirect_vreg.gather [hbm4b:s3+s2], $0x80, v4, vm0, $0xb8;
	[tilespmem:$0x1AD00] =	vst v63  }
.Ltmp4:
0x186: {  	_ = 	snop;
	(pc) =	sbr.rel .LBB2_4-.Ltmp4, $4  }
0x187: {  	_ = 	snop  }
0x188: {  	[tilespmem:s20], [sflag:$0x4] =	stream.indirect_vreg.gather [hbm4b:s7+s2], $0x80, v4, vm0, $0xb8;
	[tilespmem:$0x1AD00] =	vst v63  }
0x189: {  	s0 =	sadd.s32 $0x3000, s0;
	s15 =	sadd.s32 $0x80, s15  }
0x18a: {  	[tilespmem:s21], [sflag:$0x4] =	stream.indirect_vreg.gather [hbm4b:s8+s2], $0x80, v4, vm0, $0xb8;
	[tilespmem:$0x1AD00] =	vst v63  }
.LBB2_7:
0x18b: {  	_ =	sfence.sel $0x180000  }
0x18c: {  	[bflag:$0x0] =	sbarrier.arrive $0xFFFF  }
0x18d: {  	_ =	strace $0x90000047  }
0x18e: {  	s0 =	stileid.u32;
	[bflag:$0x2] =	sbarrier.arrive $0xFFFF  }
0x18f: {  	p0 =	sne.s32 s0, $0x0;
	s0 =	rddreg [dreg:$0x2]  }
0x190: {  	s0 =	sadd.s32 @!p0 $0x100000, s0  }
0x191: {  	[sflag:s0] =	ssyncadd.tile.s32 @!p0 $0x1;
	_ =	shalt  }
.Lfunc_end2:
_tile_overlayer_lowered:
.L_overlay_start_2:
0x192: {  	(tag) =	ssettag $0x2  }
0x193: {  	s0 =	rddreg [dreg:$0x0];
	s2 =	stileid.u32  }
0x194: {  	s1 =	rddreg [dreg:$0x1];
	p0 =	sne.s32 s2, $0x0  }
0x195: {  	s3 =	rddreg [dreg:$0x2];
	[bflag:$0x3] =	sbarrier.arrive $0xFFFF;
	s2 =	simm.s32 @!p0 $0x1C09  }
0x196: {  	[timem:s3], [sflag:s2] =	dma.local @!p0 [hbm:s0], s1  }
0x197: {  	s0 =	simm.s32 @!p0 $0x9  }
0x198: {  	_ =	swait.ge @!p0 [sflag:s0], s1  }
0x199: {  	s1 =	ssub.s32 @!p0 $0x0, s1;
	[sflag:s0] =	ssyncset.done @!p0 $0x0  }
0x19a: {  	[sflag:s0] =	ssyncadd.s32 @!p0 s1  }
0x19b: {  	[bflag:$0x3] =	sbarrier.arrive $0xFFFF  }
0x19c: {  	_ =	shalt  }

// kernel: sparse-core-data-format-call.cloned.1.call-start
scs
called_computation_lowered:
.L_overlay_start_0:
0x0: {  	s2 =	sld [smem:$0x3FD9]  }
0x1: {  	s3 =	sld [smem:$0x3FFE];
	_ =	sdelay $0x1  }
0x2: {  	s1 =	srdreg.scid  }
0x3: {  	s0 =	sand.u32 $0x1, s1  }
0x4: {  	s18 =	sshll.u32 s0, $0xA;
	s2 =	sadd.s32 s3, s2  }
0x5: {  	s2 =	sadd.s32 s2, s18  }
0x6: {  	[smem:$0x3FC1] =	sst s2  }
0x7: {  	_ = 	snop  }
0x8: {  	s2 =	sld [smem:$0x3FD0];
	(tm) =	ssettm $0x1  }
0x9: {  	s19 =	sld [smem:$0x3FFB];
	_ =	sdelay $0x3  }
0xa: {  	_ =	strace s19  }
0xb: {  	s3 =	sld [smem:$0x3FFC];
	_ =	sdelay $0x3  }
0xc: {  	_ =	strace s3  }
0xd: {  	s3 =	sld [smem:$0x3FFD];
	_ =	sdelay $0x3  }
0xe: {  	_ =	strace s3  }
0xf: {  	_ =	strace $0x8FFFFFFF  }
0x10: {  	s20 =	sld [smem:$0x3FDB];
	_ =	sdelay $0x1  }
0x11: {  	s4 =	simm.s32 $_scs_section_size  }
0x12: {  	s5 =	simm.s32 $_size__tile_overlayer_lowered;
	s6 =	simm.s32 $_tile_overlayer_lowered  }
0x13: {  	s23 =	simm.s32 $0x1BFF;
	s22 =	sshll.u32 s6, $0x1;
	s3 =	sadd.s32 s4, s20  }
0x14: {  	s7 =	simm.s32 $0x0;
	s21 =	sshll.u32 s5, $0x1;
	s5 =	sadd.s32 s22, s3  }
0x15: {  	[timem:s7], [sflag:s23] =	dma.local [hbm:s5], s21  }
0x16: {  	_ =	swait.ge [sflag:s23], s21  }
0x17: {  	s4 =	ssub.s32 $0x0, s21;
	[sflag:s23] =	ssyncset.done $0x0  }
0x18: {  	[sflag:s23] =	ssyncadd.s32 s4;
	_ =	sdelay $0x1  }
0x19: {  	s24 =	simm.s32 $0x1B8B  }
0x1a: {  	_ =	swait.ge [sflag:s24], $0x1  }
0x1b: {  	[sflag:s24] =	ssyncset.done $0x0  }
0x1c: {  	s26 =	simm.s32 $0x1B8E;
	s25 =	sld [smem:$0x3FFE];
	[sflag:s24] =	ssyncadd.s32 $0xFFFFFFFF  }
0x1d: {  	s27 =	simm.s32 $execute0_lowered;
	[smem:$0x3FD2] =	sst s26  }
0x1e: {  	s5 =	sshll.u32 s27, $0x1;
	_ =	strace $0x80000049;
	[dreg:$0x1] =	wrdreg $0xFFFFFFFF  }
0x1f: {  	s28 =	simm.s32 $_size_execute0_lowered;
	s3 =	sadd.s32 s3, s5;
	[dreg:$0x0] =	wrdreg $0x0  }
0x20: {  	s5 =	sshll.u32 s28, $0x1;
	[dreg:$0x2] =	wrdreg s3  }
0x21: {  	[dreg:$0x3] =	wrdreg s5  }
0x22: {  	[dreg:$0x4] =	wrdreg $0xC0  }
0x23: {  	_ =	task [dreg:s7], $0x5FFFF  }
0x24: {  	[dreg:$0x1] =	wrdreg $0xFFFFFFFF  }
0x25: {  	[dreg:$0x0] =	wrdreg $0x60  }
0x26: {  	[dreg:$0x2] =	wrdreg s25  }
0x27: {  	[dreg:$0x3] =	wrdreg s2  }
0x28: {  	[dreg:$0x4] =	wrdreg $0x9  }
0x29: {  	_ =	task.clear_ibuf [dreg:s7], $0x5FFFF;
	_ =	strace $0x90000049  }
0x2a: {  	s29 =	simm.s32 $0x9;
	_ =	strace $0x8000004B  }
0x2b: {  	_ =	swait.ge [sflag:s29], $0x1  }
0x2c: {  	[sflag:s29] =	ssyncadd.s32 $0xFFFFFFFF  }
0x2d: {  	_ =	strace $0x9000004B  }
0x2e: {  	_ =	sfence  }
0x2f: {  	s30 =	sld [smem:$0x0];
	_ =	sdelay $0x2  }
0x30: {  	s31 =	sshll.u32 s1, $0xD;
	s1 =	sshrl.u32 s1, $0x2  }
0x31: {  	s3 =	sand.u32 $0x4000, s31;
	s1 =	sadd.s32 s1, s30  }
0x32: {  	s0 =	sor.u32 s3, s0;
	s1 =	sshll.u32 s1, $0x11  }
0x33: {  	s0 =	sor.u32 s1, s0  }
0x34: {  	s0 =	sadd.s32 $0x8F2B, s0  }
0x35: {  	[sflag:s0] =	ssyncadd.remote.s32 $0x1  }
0x36: {  	_ =	sfence.sel $0xFFFF  }
0x37: {  	[dreg:$0x0] =	wrdreg $0xFFFFFFFF;
	(pc) =	sbr.abs _section_cstart, $3  }
0x38: {  	[dreg:$0x1] =	wrdreg $0xFFFFFFFF  }
0x39: {  	_ =	task.clear_ibuf [dreg:s7], $0x2FFFF;
	_ =	strace $0x9FFFFFFF  }
0x3a: {  	(tm) =	ssettm $0x7FFFFFFF  }
0x3b: {  	_ =	shalt  }
tec
execute0_lowered:
.L_overlay_start_1:
0x0: {  	(tag) =	ssettag $0x1  }
0x1: {  	s0 =	srdreg.scid  }
0x2: {  	s1 =	sshll.u32 s0, $0x4  }
0x3: {  	s6 =	rddreg [dreg:$0x0];
	s0 =	stileid.u32;
	s1 =	sand.u32 $0x10, s1  }
0x4: {  	s3 =	rddreg [dreg:$0x1];
	s1 =	sor.u32 s0, s1  }
0x5: {  	s5 =	simm.s32 $0x1;
	s31 =	simm.s32 $0x2;
	s2 =	sshll.u32 s1, $0x7  }
0x6: {  	s15 =	simm.s32 $0x0;
	s8 =	simm.s32 $0x1800;
	s4 =	ssub.s32 $0x1000, s2  }
0x7: {  	s9 =	simm.s32 $0x0;
	s14 =	simm.s32 $0x0;
	s30 =	sand.u32 $0xF80, s4  }
0x8: {  	s16 =	simm.s32 $0x0;
	s10 =	simm.s32 $0x0;
	p0 =	sne.s32 s30, $0x0  }
.Ltmp0:
0x9: {  	s7 =	sshrl.u32 s4, $0xC;
	s5 =	simm.s32 @!p0 $0x0;
	(pc) =	sbr.rel .LBB1_1-.Ltmp0, $4  }
0xa: {  	s11 =	simm.s32 $0x0;
	s1 =	rddreg [dreg:$0x2];
	s5 =	sadd.s32 s5, s7  }
0xb: {  	_ =	strace $0x8000004A;
	s4 =	simm.s32 $0x1;
	s5 =	smul.u32 $0xB4, s5  }
0xc: {  	s13 =	simm.s32 $0x0;
	s6 =	sadd.s32 $0x1000, s6;
	[sflag:s4] =	ssyncpa.u1 $0x0  }
0xd: {  	s12 =	smov.u32 s2;
	[sflag:s31] =	ssyncpa.u1 $0x0;
	s7 =	sor.u32 $0x1, s5  }
.LBB1_4:
0xe: {  	_ =	sdelay $0x2  }
0xf: {  	s20 =	sshrl.u32 s16, $0x3  }
0x10: {  	[tilespmem:v0+s19+$0xFFFFFFD0 ss:$0x1] =	vst.idx.msk $0xffff, v7;
	s21 =	sshll.u32 s15, $0x3;
	s20 =	smul.u32 $0x1800, s20  }
0x11: {  	v56 =	vld.idx.msk [tilespmem:v1+s18+$0x0 ss:$0x1], $0xffff;
	[tilespmem:v0+s19+$0xFFFFFFE0 ss:$0x1] =	vst.idx.msk $0xffff, v5;
	s27 =	sshll.u32 s16, $0x7;
	s21 =	sand.u32 $0xFFFFFC00, s21  }
0x12: {  	v57 =	vld.idx.msk [tilespmem:v1+s18+$0xFFFFFF90 ss:$0x1], $0xffff;
	[tilespmem:v0+s19+$0xFFFFFFF0 ss:$0x1] =	vst.idx.msk $0xffff, v4;
	s16 =	sand.u32 $0x380, s27;
	s20 =	sadd.s32 s20, s21  }
0x13: {  	v58 =	vld.idx.msk [tilespmem:v1+s18+$0xFFFFFFA0 ss:$0x1], $0xffff;
	[tilespmem:v0+s19+$0x0 ss:$0x1] =	vst.idx.msk $0xffff, v2;
	s28 =	sand.u32 $0x7F, s15;
	s16 =	sor.u32 s16, s20  }
0x14: {  	v59 =	vld.idx.msk [tilespmem:v1+s18+$0xFFFFFFB0 ss:$0x1], $0xffff;
	[tilespmem:v0+s19+$0x10 ss:$0x1] =	vst.idx.msk $0xffff, v3;
	s15 =	sor.u32 s28, s16  }
0x15: {  	v60 =	vld.idx.msk [tilespmem:v1+s18+$0xFFFFFFC0 ss:$0x1], $0xffff;
	[tilespmem:v0+s19+$0x20 ss:$0x1] =	vst.idx.msk $0xffff, v6;
	s29 =	smulhi.u32 $0xAAAAAAAB, s15  }
0x16: {  	v61 =	vld.idx.msk [tilespmem:v1+s18+$0xFFFFFFD0 ss:$0x1], $0xffff;
	[tilespmem:v0+s18+$0x30 ss:$0x1] =	vst.idx.msk $0xffff, v56;
	s16 =	smulhi.u32 $0xAAAAAAAB, s16  }
0x17: {  	v62 =	vld.idx.msk [tilespmem:v1+s18+$0xFFFFFFE0 ss:$0x1], $0xffff;
	[tilespmem:v0+s18+$0xFFFFFFC0 ss:$0x1] =	vst.idx.msk $0xffff, v57;
	s19 =	sshrl.u32 s29, $0x9  }
0x18: {  	v63 =	vld.idx.msk [tilespmem:v1+s18+$0xFFFFFFF0 ss:$0x1], $0xffff;
	[tilespmem:v0+s18+$0xFFFFFFD0 ss:$0x1] =	vst.idx.msk $0xffff, v58;
	s16 =	sshrl.u32 s16, $0x9;
	s19 =	smul.u32 $0x300, s19  }
0x19: {  	s14 =	smul.u32 $0x60000, s14;
	[tilespmem:v0+s18+$0xFFFFFFE0 ss:$0x1] =	vst.idx.msk $0xffff, v59;
	s16 =	sand.u32 $0xFFF, s16  }
0x1a: {  	[tilespmem:v0+s18+$0xFFFFFFF0 ss:$0x1] =	vst.idx.msk $0xffff, v60;
	s16 =	smul.u32 $0x60, s16;
	s15 =	ssub.s32 s15, s19  }
0x1b: {  	s14 =	sadd.s32 s3, s14;
	[tilespmem:v0+s18+$0x0 ss:$0x1] =	vst.idx.msk $0xffff, v61;
	s19 =	sand.u32 $0x7, s15  }
0x1c: {  	[tilespmem:v0+s18+$0x10 ss:$0x1] =	vst.idx.msk $0xffff, v62;
	s14 =	sadd.s32 s16, s14;
	s15 =	sshrl.u32 s15, $0x3;
	s30 =	sshll.u32 s19, $0x12  }
0x1d: {  	[tilespmem:v0+s18+$0x20 ss:$0x1] =	vst.idx.msk $0xffff, v63;
	s14 =	sadd.s32 s15, s14;
	s31 =	sor.u32 $0x400, s30  }
0x1e: {  	[hbm4b:s14+s31] =	stream.strided.scatter [tilespmem:s17], [sflag:$0x2], $0x4000, s8, s31, $0x38;
	[tilespmem:$0x10000] =	vst v63  }
.LBB1_5:
0x1f: {  	s17 =	sadd.s32 $0x80, s10  }
0x20: {  	s14 =	simm.s32 $0x1;
	p1 =	sgt.s32 s17, $0x2FF  }
0x21: {  	s14 =	simm.s32 @!p1 $0x0  }
0x22: {  	s18 =	sadd.s32 s14, s11  }
0x23: {  	s20 =	smov.u32 s12;
	s14 =	sadd.s32 $0x1000, s12;
	p2 =	sgt.s32 s18, $0x1D  }
0x24: {  	s20 =	smov.u32 @p2 s14  }
0x25: {  	s17 =	simm.s32 @p1 $0x0;
	p1 =	sgt.s32 s20, $0xFFF  }
0x26: {  	p0 =	slt.u32 s13, $0x2;
	s20 =	smov.u32 @p1 s2;
	p1 =	sne.s32 s13, s7  }
.Ltmp1:
0x27: {  	s19 =	simm.s32 @!p0 $0x2;
	(pc) =	sbr.rel @!p1 .LBB1_6-.Ltmp1, $4  }
0x28: {  	s15 =	smov.u32 s10;
	s16 =	smov.u32 s12;
	_ =	swait.ge @!p0 [sflag:s19], $0x4000  }
0x29: {  	s9 =	sadd.s32 $0x4000, s9;
	[sflag:s19] =	ssyncset.done @!p0 $0x0;
	s10 =	smov.u32 s17  }
0x2a: {  	[sflag:s19] =	ssyncadd.s32 @!p0 $0xFFFFC000;
	s18 =	simm.s32 @p2 $0x0;
	s14 =	smov.u32 s11  }
0x2b: {  	s11 =	smov.u32 s18;
	s13 =	sadd.s32 $0x1, s13;
	s12 =	smov.u32 s20  }
.LBB1_1:
0x2c: {  	p0 =	sge.u32 s13, s5  }
0x2d: {  	s17 =	sshrl.u32 @!p0 s11, $0x3  }
0x2e: {  	s18 =	sshll.u32 @!p0 s10, $0x3;
	s17 =	smul.u32 @!p0 $0x1800, s17  }
0x2f: {  	s19 =	sshll.u32 @!p0 s11, $0x7;
	s18 =	sand.u32 @!p0 $0xFFFFFC00, s18  }
0x30: {  	s17 =	sadd.s32 @!p0 s17, s18;
	s18 =	sand.u32 @!p0 $0x380, s19  }
0x31: {  	s19 =	sand.u32 @!p0 $0x7F, s10;
	s17 =	sor.u32 @!p0 s18, s17  }
0x32: {  	s18 =	sor.u32 @!p0 s19, s17  }
0x33: {  	s19 =	smulhi.u32 @!p0 $0xAAAAAAAB, s18  }
0x34: {  	s17 =	smulhi.u32 @!p0 $0xAAAAAAAB, s17  }
0x35: {  	s19 =	sshrl.u32 @!p0 s19, $0x9  }
0x36: {  	s31 =	sadd.s32 $0xFFFFFFFF, s13;
	s17 =	sshrl.u32 @!p0 s17, $0x9;
	s19 =	smul.u32 @!p0 $0x300, s19  }
0x37: {  	s20 =	sxor.u32 @!p0 $0xFFFFFFFF, s13;
	s21 =	smul.u32 @!p0 $0xC00, s12;
	s17 =	sand.u32 @!p0 $0x1F, s17  }
0x38: {  	s20 =	sshll.u32 @!p0 s20, $0xE;
	s17 =	smul.u32 @!p0 $0x60, s17;
	s18 =	ssub.s32 @!p0 s18, s19  }
0x39: {  	s19 =	sand.u32 @!p0 $0x4000, s20;
	s20 =	sadd.s32 @!p0 s6, s21;
	s21 =	sand.u32 @!p0 $0x7, s18  }
0x3a: {  	s18 =	sshrl.u32 @!p0 s18, $0x3;
	s17 =	sadd.s32 @!p0 s17, s20;
	s20 =	sshll.u32 @!p0 s21, $0x12  }
0x3b: {  	s17 =	sadd.s32 @!p0 s18, s17;
	s18 =	sor.u32 @!p0 $0x80, s20;
	s20 =	simm.s32 @!p0 $0x6000  }
0x3c: {  	[tilespmem:s19], [sflag:$0x1] =	stream.strided.gather @!p0 [hbm4b:s17+s18], $0x4000, s20, s18, $0x38;
	[tilespmem:$0x10000] =	vst v63  }
0x3d: {  	p0 =	sge.u32 s31, s5  }
.Ltmp2:
0x3e: {  	_ = 	snop;
	(pc) =	sbr.rel @p0 .LBB1_5-.Ltmp2, $1  }
0x3f: {  	_ =	sdelay $0x3  }
0x40: {  	s17 =	sand.u32 $0x4000, s9  }
0x41: {  	s18 =	sor.u32 $0x70, s17  }
0x42: {  	v1 =	vmov s18;
	_ =	sdelay $0x1  }
0x43: {  	_ =	swait.ge [sflag:s4], $0x4000  }
0x44: {  	[sflag:s4] =	ssyncset.done $0x0  }
0x45: {  	s19 =	simm.s32 $0x0;
	[sflag:s4] =	ssyncadd.s32 $0xFFFFC000  }
0x46: {  	s17 =	sor.u32 $0x8040, s17;
	v6 =	vld.idx.msk [tilespmem:v1+s19+$0x0 ss:$0x1], $0xffff  }
0x47: {  	v0 =	vmov s17;
	v8 =	vld.idx.msk [tilespmem:v1+s19+$0xFFFFFF90 ss:$0x1], $0xffff  }
0x48: {  	v7 =	vld.idx.msk [tilespmem:v1+s19+$0xFFFFFFA0 ss:$0x1], $0xffff  }
0x49: {  	v5 =	vld.idx.msk [tilespmem:v1+s19+$0xFFFFFFB0 ss:$0x1], $0xffff  }
0x4a: {  	v4 =	vld.idx.msk [tilespmem:v1+s19+$0xFFFFFFC0 ss:$0x1], $0xffff  }
0x4b: {  	s31 =	sshll.u32 s13, $0xE;
	v2 =	vld.idx.msk [tilespmem:v1+s19+$0xFFFFFFD0 ss:$0x1], $0xffff  }
0x4c: {  	s17 =	sand.u32 $0x4000, s31;
	v3 =	vld.idx.msk [tilespmem:v1+s19+$0xFFFFFFE0 ss:$0x1], $0xffff;
	[tilespmem:v0+s19+$0x30 ss:$0x1] =	vst.idx.msk $0xffff, v6  }
0x4d: {  	s20 =	simm.s32 $0x400;
	s18 =	simm.s32 $0x80;
	s17 =	sor.u32 $0x8000, s17;
	[tilespmem:v0+s19+$0xFFFFFFC0 ss:$0x1] =	vst.idx.msk $0xffff, v8;
	v6 =	vld.idx.msk [tilespmem:v1+s19+$0xFFFFFFF0 ss:$0x1], $0xffff  }
.LBB1_3:
0x4e: {  	p0 =	sne.s32 s20, $0xFE00;
	v8 =	vld.idx.msk [tilespmem:v1+s18+$0x0 ss:$0x1], $0xffff;
	[tilespmem:v0+s19+$0xFFFFFFD0 ss:$0x1] =	vst.idx.msk $0xffff, v7  }
0x4f: {  	v9 =	vld.idx.msk [tilespmem:v1+s18+$0xFFFFFF90 ss:$0x1], $0xffff;
	[tilespmem:v0+s19+$0xFFFFFFE0 ss:$0x1] =	vst.idx.msk $0xffff, v5  }
0x50: {  	v7 =	vld.idx.msk [tilespmem:v1+s18+$0xFFFFFFA0 ss:$0x1], $0xffff;
	[tilespmem:v0+s19+$0xFFFFFFF0 ss:$0x1] =	vst.idx.msk $0xffff, v4  }
.Ltmp3:
0x51: {  	v5 =	vld.idx.msk [tilespmem:v1+s18+$0xFFFFFFB0 ss:$0x1], $0xffff;
	[tilespmem:v0+s19+$0x0 ss:$0x1] =	vst.idx.msk $0xffff, v2;
	(pc) =	sbr.rel @p0 .LBB1_3-.Ltmp3, $4  }
0x52: {  	v4 =	vld.idx.msk [tilespmem:v1+s18+$0xFFFFFFC0 ss:$0x1], $0xffff;
	[tilespmem:v0+s19+$0x10 ss:$0x1] =	vst.idx.msk $0xffff, v3  }
0x53: {  	v2 =	vld.idx.msk [tilespmem:v1+s18+$0xFFFFFFD0 ss:$0x1], $0xffff;
	[tilespmem:v0+s19+$0x20 ss:$0x1] =	vst.idx.msk $0xffff, v6;
	s19 =	smov.u32 s18  }
0x54: {  	v3 =	vld.idx.msk [tilespmem:v1+s19+$0xFFFFFFE0 ss:$0x1], $0xffff;
	[tilespmem:v0+s19+$0x30 ss:$0x1] =	vst.idx.msk $0xffff, v8  }
0x55: {  	s18 =	sshra.s32 s20, $0x2;
	s20 =	sadd.s32 $0x200, s20;
	[tilespmem:v0+s19+$0xFFFFFFC0 ss:$0x1] =	vst.idx.msk $0xffff, v9;
	v6 =	vld.idx.msk [tilespmem:v1+s19+$0xFFFFFFF0 ss:$0x1], $0xffff  }
.Ltmp4:
0x56: {  	_ = 	snop;
	(pc) =	sbr.rel .LBB1_4-.Ltmp4, $1  }
0x57: {  	_ =	sdelay $0x3  }
.LBB1_6:
0x58: {  	_ =	sfence.sel $0x180000  }
0x59: {  	s2 =	simm.s32 $0x1;
	[bflag:$0x0] =	sbarrier.arrive $0xFFFF  }
0x5a: {  	s31 =	simm.s32 $0x2;
	[sflag:s2] =	ssyncpa.u1 $0x1  }
0x5b: {  	[sflag:s31] =	ssyncpa.u1 $0x1  }
0x5c: {  	p0 =	sne.s32 s0, $0x0;
	_ =	strace $0x9000004A  }
0x5d: {  	s0 =	sadd.s32 @!p0 $0x100000, s1;
	[bflag:$0x2] =	sbarrier.arrive $0xFFFF  }
0x5e: {  	[sflag:s0] =	ssyncadd.tile.s32 @!p0 $0x1;
	_ =	shalt  }
.Lfunc_end1:
_tile_overlayer_lowered:
.L_overlay_start_2:
0x5f: {  	(tag) =	ssettag $0x2  }
0x60: {  	s0 =	rddreg [dreg:$0x0];
	s2 =	stileid.u32  }
0x61: {  	s1 =	rddreg [dreg:$0x1];
	p0 =	sne.s32 s2, $0x0  }
0x62: {  	s3 =	rddreg [dreg:$0x2];
	[bflag:$0x3] =	sbarrier.arrive $0xFFFF;
	s2 =	simm.s32 @!p0 $0x1C01  }
0x63: {  	[timem:s3], [sflag:s2] =	dma.local @!p0 [hbm:s0], s1  }
0x64: {  	s0 =	simm.s32 @!p0 $0x1  }
0x65: {  	_ =	swait.ge @!p0 [sflag:s0], s1  }
0x66: {  	s1 =	ssub.s32 @!p0 $0x0, s1;
	[sflag:s0] =	ssyncset.done @!p0 $0x0  }
0x67: {  	[sflag:s0] =	ssyncadd.s32 @!p0 s1  }
0x68: {  	[bflag:$0x3] =	sbarrier.arrive $0xFFFF  }
0x69: {  	_ =	shalt  }

</sc_bundles>
